<compile_context>
chip_gen: v7x
topology: tpu7x:2x2x1
jax: 0.10.2.dev20260603
libtpu: 0.0.44.dev20260713+nightly
codegen_flags: <defaults>
</compile_context>

<pallas_src>
import jax
import jax.numpy as jnp
from jax import lax
from jax.experimental import pallas as pl
from jax.experimental.pallas import tpu as pltpu
from jax.experimental.pallas import tpu_sc as plsc

BATCH = 16384
EMBED = 64
H1 = 128
NUM_ROWS = 1000000
NC = 2
NS = 16
NW = NC * NS
B_PER_W = BATCH // NW
IDX_CHUNK = 128
N_CHUNKS = B_PER_W // IDX_CHUNK

BLKN = 32768
G_GRID = (NUM_ROWS + BLKN - 1) // BLKN


def _g_matmul_kernel(t_ref, w_ref, g_ref):
    g = jax.lax.dot_general(
        t_ref[...].astype(jnp.bfloat16), w_ref[...].astype(jnp.bfloat16),
        dimension_numbers=(((0,), (0,)), ((), ())),
        preferred_element_type=jnp.float32,
    )
    g_ref[...] = pltpu.bitcast(g.astype(jnp.bfloat16), jnp.int32)


def _g_matmul(t_t, w):
    return pl.pallas_call(
        _g_matmul_kernel,
        grid=(G_GRID,),
        in_specs=[
            pl.BlockSpec((EMBED, BLKN), lambda i: (0, i)),
            pl.BlockSpec((EMBED, H1), lambda i: (0, 0)),
        ],
        out_specs=pl.BlockSpec((BLKN // 2, H1), lambda i: (i, 0)),
        out_shape=jax.ShapeDtypeStruct((NUM_ROWS // 2, H1), jnp.int32),
    )(t_t, w)


def _sc_gather_kernel(g_hbm, idx_hbm, h_hbm, idx_v, rows_v, rows2_v, sem):
    wid = lax.axis_index("s") * NC + lax.axis_index("c")
    pltpu.sync_copy(idx_hbm.at[wid], idx_v)
    base = wid * B_PER_W
    for c in range(0, N_CHUNKS, 2):
        c0 = pltpu.async_copy(g_hbm.at[idx_v.at[c]], rows_v, sem)
        c1 = pltpu.async_copy(g_hbm.at[idx_v.at[c + 1]], rows2_v, sem)
        c0.wait()
        pltpu.sync_copy(rows_v,
                        h_hbm.at[pl.ds(base + c * IDX_CHUNK, IDX_CHUNK)])
        c1.wait()
        pltpu.sync_copy(rows2_v,
                        h_hbm.at[pl.ds(base + (c + 1) * IDX_CHUNK, IDX_CHUNK)])


def _sc_gather(g, ids):
    mesh = plsc.VectorSubcoreMesh(core_axis_name="c", subcore_axis_name="s")
    idx = (ids.astype(jnp.int32) >> 1).reshape(NW, N_CHUNKS, IDX_CHUNK)
    k = pl.kernel(
        _sc_gather_kernel,
        out_type=jax.ShapeDtypeStruct((BATCH, H1), jnp.int32),
        mesh=mesh,
        scratch_types=[
            pltpu.VMEM((N_CHUNKS, IDX_CHUNK), jnp.int32),
            pltpu.VMEM((IDX_CHUNK, H1), jnp.int32),
            pltpu.VMEM((IDX_CHUNK, H1), jnp.int32),
            pltpu.SemaphoreType.DMA,
        ],
    )
    return k(g, idx)


BLK = 2048


def _unpack(packed_ref, parity_ref):
    u = lax.bitcast_convert_type(packed_ref[...], jnp.uint32)
    lo = lax.bitcast_convert_type(u << 16, jnp.float32)
    hi = lax.bitcast_convert_type(u & jnp.uint32(0xFFFF0000), jnp.float32)
    return jnp.where(parity_ref[...] > 0.5, hi, lo)


def _mlp_kernel(hu_ref, hv_ref, up_ref, vp_ref, b1_ref, w2_ref, b2_ref,
                w3_ref, b3_ref, w4t_ref, b4_ref, o_ref):
    h = _unpack(hu_ref, up_ref) + _unpack(hv_ref, vp_ref) + b1_ref[...]
    h = jnp.maximum(h, 0.0)
    h = jnp.maximum(h @ w2_ref[...] + b2_ref[...], 0.0)
    h = jnp.maximum(h @ w3_ref[...] + b3_ref[...], 0.0)
    logit = jnp.sum(h * w4t_ref[...], axis=1, keepdims=True) + b4_ref[...]
    o_ref[...] = jax.nn.sigmoid(logit)


def _mlp(hu, hv, up, vp, b1, W2, b2, W3, b3, W4, b4):
    full = lambda shape: pl.BlockSpec(shape, lambda i: (0, 0))
    out = pl.pallas_call(
        _mlp_kernel,
        grid=(BATCH // BLK,),
        in_specs=[
            pl.BlockSpec((BLK, H1), lambda i: (i, 0)),
            pl.BlockSpec((BLK, H1), lambda i: (i, 0)),
            pl.BlockSpec((BLK, 1), lambda i: (i, 0)),
            pl.BlockSpec((BLK, 1), lambda i: (i, 0)),
            full((1, 128)),
            full(W2.shape), full((1, 64)),
            full(W3.shape), full((1, 32)),
            full((1, 32)), full((1, 1)),
        ],
        out_specs=pl.BlockSpec((BLK, 1), lambda i: (i, 0)),
        out_shape=jax.ShapeDtypeStruct((BATCH, 1), jnp.float32),
    )(hu, hv, up, vp, b1.reshape(1, -1),
      W2, b2.reshape(1, -1), W3, b3.reshape(1, -1),
      W4.reshape(1, -1), b4.reshape(1, 1))
    return out.reshape(BATCH)


def kernel(user_ids, item_ids, user_table, item_table,
           W1, b1, W2, b2, W3, b3, W4, b4):
    gu = _g_matmul(user_table.T, W1[:EMBED])
    hu = _sc_gather(gu, user_ids)
    gv = _g_matmul(item_table.T, W1[EMBED:])
    hv = _sc_gather(gv, item_ids)
    up = (user_ids & 1).astype(jnp.float32).reshape(BATCH, 1)
    vp = (item_ids & 1).astype(jnp.float32).reshape(BATCH, 1)
    return _mlp(hu, hv, up, vp, b1, W2, b2, W3, b3, W4, b4)

# --- scband reference (transcript-rebuilt; emitter-appended) ---
"""Pipeline reference for scband-neural-cf-66786741453037 (READ-ONLY COPY).

The authoritative reference and input builder live on the scoring server;
editing this copy changes nothing except your own understanding.
"""

import jax, jax.numpy as jnp
import numpy as np

NUM_USERS = 1000000
NUM_ITEMS = 1000000
EMBED_DIM = 64
BATCH = 16384
HIDDEN = [128, 64, 32]


def setup_inputs(seed: int = 0) -> dict:
    key = jax.random.key(seed)
    ks = jax.random.split(key, 12)
    inp = {}
    inp['user_ids'] = jax.random.randint(ks[0], (BATCH,), 0, NUM_USERS, dtype=jnp.int64 if jax.config.jax_enable_x64 else jnp.int32)
    inp['item_ids'] = jax.random.randint(ks[1], (BATCH,), 0, NUM_ITEMS, dtype=jnp.int64 if jax.config.jax_enable_x64 else jnp.int32)
    inp['user_table'] = jax.random.normal(ks[2], (NUM_USERS, EMBED_DIM), dtype=jnp.float32) * 0.02
    inp['item_table'] = jax.random.normal(ks[3], (NUM_ITEMS, EMBED_DIM), dtype=jnp.float32) * 0.02
    dims = [EMBED_DIM * 2] + HIDDEN + [1]
    for i in range(len(dims) - 1):
        fan_in = dims[i]
        bound = 1.0 / np.sqrt(fan_in)
        inp[f'W{i+1}'] = jax.random.uniform(ks[4 + 2 * i], (dims[i], dims[i + 1]), dtype=jnp.float32, minval=-bound, maxval=bound)
        inp[f'b{i+1}'] = jax.random.uniform(ks[5 + 2 * i], (dims[i + 1],), dtype=jnp.float32, minval=-bound, maxval=bound)
    return inp


def reference(user_ids, item_ids, user_table, item_table, W1, b1, W2, b2, W3, b3, W4, b4):
    user_vec = jnp.take(user_table, user_ids, axis=0)
    item_vec = jnp.take(item_table, item_ids, axis=0)
    x = jnp.concatenate([user_vec, item_vec], axis=-1)
    # MLP (dropout is identity in eval mode)
    x = jax.nn.relu(x @ W1 + b1)
    x = jax.nn.relu(x @ W2 + b2)
    x = jax.nn.relu(x @ W3 + b3)
    x = jax.nn.sigmoid(x @ W4 + b4)
    return jnp.squeeze(x, axis=-1)

if __name__ == "__main__":
    import jax
    _d = setup_inputs()
    print(jax.jit(kernel)(*tuple(_d.values())))

</pallas_src>

<mosaic_0001>
#map = affine_map<(d0, d1) -> (0, 0)>
#map1 = affine_map<(d0, d1) -> (0, 0, 0)>
module attributes {stable_mosaic.version = 14 : i64} {
  func.func @_sc_gather_kernel(%arg0: i32, %arg1: i32, %arg2: memref<500000x128xi32, #tpu.memory_space<hbm>>, %arg3: memref<32x4x128xi32, #tpu.memory_space<hbm>>, %arg4: memref<16384x128xi32, #tpu.memory_space<hbm>>, %arg5: memref<4x128xi32, #tpu.memory_space<vmem>>, %arg6: memref<128x128xi32, #tpu.memory_space<vmem>>, %arg7: memref<128x128xi32, #tpu.memory_space<vmem>>, %arg8: memref<!tpu.dma_semaphore, #tpu.memory_space<semaphore_mem>>) attributes {dimension_semantics = [#tpu.dimension_semantics<core_parallel>, #tpu.dimension_semantics<subcore_parallel>], iteration_bounds = array<i64: 2, 16>, scalar_prefetch = 0 : i64, scratch_operands = 4 : i64, tpu.core_type = #tpu.core_type<sc_vector_subcore>, window_params = [{transform_indices = #map}, {transform_indices = #map1}, {transform_indices = #map}]} {
    %mul3A = arith.constant 2 : i32
    %mul3A_0 = arith.muli %arg1, %mul3A : i32
    %add3A = arith.addi %mul3A_0, %arg0 : i32
    "tpu.region"() ({
      %run_scoped3A = tpu.sem_alloc : memref<!tpu.dma_semaphore, #tpu.memory_space<semaphore_mem>>
      %dma_start3A_65 = arith.constant 0 : i32
      %dma_start3A_66 = arith.constant 0 : i32
      %dma_start3A_67 = tpu.memref_slice %arg3[%add3A, %dma_start3A_65, %dma_start3A_66] : memref<32x4x128xi32, #tpu.memory_space<hbm>> -> memref<1x4x128xi32, #tpu.memory_space<hbm>>
      %dma_start3A_68 = tpu.memref_squeeze %dma_start3A_67 : memref<1x4x128xi32, #tpu.memory_space<hbm>> -> memref<4x128xi32, #tpu.memory_space<hbm>>
      %dma_start3A_69 = arith.constant 0 : i32
      %dma_start3A_70 = arith.constant 0 : i32
      %dma_start3A_71 = tpu.memref_slice %arg3[%add3A, %dma_start3A_69, %dma_start3A_70] : memref<32x4x128xi32, #tpu.memory_space<hbm>> -> memref<1x4x128xi32, #tpu.memory_space<hbm>>
      %dma_start3A_72 = tpu.memref_squeeze %dma_start3A_71 : memref<1x4x128xi32, #tpu.memory_space<hbm>> -> memref<4x128xi32, #tpu.memory_space<hbm>>
      tpu.enqueue_dma source(%dma_start3A_72 : memref<4x128xi32, #tpu.memory_space<hbm>>) target(%arg5 : memref<4x128xi32, #tpu.memory_space<vmem>>) target_semaphore(%run_scoped3A : memref<!tpu.dma_semaphore, #tpu.memory_space<semaphore_mem>>)
      %dma_wait3A_73 = arith.constant 0 : i32
      %dma_wait3A_74 = arith.constant 0 : i32
      %dma_wait3A_75 = tpu.memref_slice %arg3[%add3A, %dma_wait3A_73, %dma_wait3A_74] : memref<32x4x128xi32, #tpu.memory_space<hbm>> -> memref<1x4x128xi32, #tpu.memory_space<hbm>>
      %dma_wait3A_76 = tpu.memref_squeeze %dma_wait3A_75 : memref<1x4x128xi32, #tpu.memory_space<hbm>> -> memref<4x128xi32, #tpu.memory_space<hbm>>
      %dma_wait3A_77 = arith.constant 0 : i32
      %dma_wait3A_78 = arith.constant 0 : i32
      %dma_wait3A_79 = tpu.memref_slice %arg3[%add3A, %dma_wait3A_77, %dma_wait3A_78] : memref<32x4x128xi32, #tpu.memory_space<hbm>> -> memref<1x4x128xi32, #tpu.memory_space<hbm>>
      %dma_wait3A_80 = tpu.memref_squeeze %dma_wait3A_79 : memref<1x4x128xi32, #tpu.memory_space<hbm>> -> memref<4x128xi32, #tpu.memory_space<hbm>>
      tpu.wait_dma2 semaphore(%run_scoped3A : memref<!tpu.dma_semaphore, #tpu.memory_space<semaphore_mem>>) src(%dma_wait3A_80 : memref<4x128xi32, #tpu.memory_space<hbm>>) dst(%arg5 : memref<4x128xi32, #tpu.memory_space<vmem>>)
      tpu.yield
    }) : () -> ()
    %mul3A_1 = arith.constant 512 : i32
    %mul3A_2 = arith.muli %add3A, %mul3A_1 : i32
    %dma_start3A = arith.constant 0 : i32
    %dma_start3A_3 = arith.constant 0 : i32
    %dma_start3A_4 = tpu.memref_slice %arg5[%dma_start3A, %dma_start3A_3] : memref<4x128xi32, #tpu.memory_space<vmem>> -> memref<1x128xi32, #tpu.memory_space<vmem>>
    %dma_start3A_5 = tpu.memref_squeeze %dma_start3A_4 : memref<1x128xi32, #tpu.memory_space<vmem>> -> memref<128xi32, #tpu.memory_space<vmem>>
    %dma_start3A_6 = arith.constant 0 : i32
    %dma_start3A_7 = arith.constant 0 : i32
    %dma_start3A_8 = tpu.memref_slice %arg2[%dma_start3A_6, %dma_start3A_7] : memref<500000x128xi32, #tpu.memory_space<hbm>> -> memref<500000x128xi32, #tpu.memory_space<hbm>>
    tpu.enqueue_indirect_dma source(%dma_start3A_8 : memref<500000x128xi32, #tpu.memory_space<hbm>>) target(%arg6 : memref<128x128xi32, #tpu.memory_space<vmem>>) offsets(%dma_start3A_5 : memref<128xi32, #tpu.memory_space<vmem>>) semaphore(%arg8 : memref<!tpu.dma_semaphore, #tpu.memory_space<semaphore_mem>>)
    %dma_start3A_9 = arith.constant 1 : i32
    %dma_start3A_10 = arith.constant 0 : i32
    %dma_start3A_11 = tpu.memref_slice %arg5[%dma_start3A_9, %dma_start3A_10] : memref<4x128xi32, #tpu.memory_space<vmem>> -> memref<1x128xi32, #tpu.memory_space<vmem>>
    %dma_start3A_12 = tpu.memref_squeeze %dma_start3A_11 : memref<1x128xi32, #tpu.memory_space<vmem>> -> memref<128xi32, #tpu.memory_space<vmem>>
    %dma_start3A_13 = arith.constant 0 : i32
    %dma_start3A_14 = arith.constant 0 : i32
    %dma_start3A_15 = tpu.memref_slice %arg2[%dma_start3A_13, %dma_start3A_14] : memref<500000x128xi32, #tpu.memory_space<hbm>> -> memref<500000x128xi32, #tpu.memory_space<hbm>>
    tpu.enqueue_indirect_dma source(%dma_start3A_15 : memref<500000x128xi32, #tpu.memory_space<hbm>>) target(%arg7 : memref<128x128xi32, #tpu.memory_space<vmem>>) offsets(%dma_start3A_12 : memref<128xi32, #tpu.memory_space<vmem>>) semaphore(%arg8 : memref<!tpu.dma_semaphore, #tpu.memory_space<semaphore_mem>>)
    %dma_wait3A = arith.constant 0 : i32
    %dma_wait3A_16 = arith.constant 0 : i32
    %dma_wait3A_17 = tpu.memref_slice %arg5[%dma_wait3A, %dma_wait3A_16] : memref<4x128xi32, #tpu.memory_space<vmem>> -> memref<1x128xi32, #tpu.memory_space<vmem>>
    %dma_wait3A_18 = tpu.memref_squeeze %dma_wait3A_17 : memref<1x128xi32, #tpu.memory_space<vmem>> -> memref<128xi32, #tpu.memory_space<vmem>>
    %dma_wait3A_19 = arith.constant 0 : i32
    %dma_wait3A_20 = arith.constant 0 : i32
    %dma_wait3A_21 = tpu.memref_slice %arg2[%dma_wait3A_19, %dma_wait3A_20] : memref<500000x128xi32, #tpu.memory_space<hbm>> -> memref<500000x128xi32, #tpu.memory_space<hbm>>
    tpu.wait_indirect_dma semaphore(%arg8 : memref<!tpu.dma_semaphore, #tpu.memory_space<semaphore_mem>>) src(%dma_wait3A_21 : memref<500000x128xi32, #tpu.memory_space<hbm>>) dst(%arg6 : memref<128x128xi32, #tpu.memory_space<vmem>>)
    %add3A_22 = arith.constant 0 : i32
    %add3A_23 = arith.addi %mul3A_2, %add3A_22 : i32
    "tpu.region"() ({
      %run_scoped3A = tpu.sem_alloc : memref<!tpu.dma_semaphore, #tpu.memory_space<semaphore_mem>>
      %dma_start3A_65 = arith.constant 0 : i32
      %dma_start3A_66 = tpu.memref_slice %arg4[%add3A_23, %dma_start3A_65] : memref<16384x128xi32, #tpu.memory_space<hbm>> -> memref<128x128xi32, #tpu.memory_space<hbm>>
      %dma_start3A_67 = arith.constant 0 : i32
      %dma_start3A_68 = tpu.memref_slice %arg4[%add3A_23, %dma_start3A_67] : memref<16384x128xi32, #tpu.memory_space<hbm>> -> memref<128x128xi32, #tpu.memory_space<hbm>>
      tpu.enqueue_dma source(%arg6 : memref<128x128xi32, #tpu.memory_space<vmem>>) target(%dma_start3A_68 : memref<128x128xi32, #tpu.memory_space<hbm>>) target_semaphore(%run_scoped3A : memref<!tpu.dma_semaphore, #tpu.memory_space<semaphore_mem>>)
      %dma_wait3A_69 = arith.constant 0 : i32
      %dma_wait3A_70 = tpu.memref_slice %arg4[%add3A_23, %dma_wait3A_69] : memref<16384x128xi32, #tpu.memory_space<hbm>> -> memref<128x128xi32, #tpu.memory_space<hbm>>
      %dma_wait3A_71 = arith.constant 0 : i32
      %dma_wait3A_72 = tpu.memref_slice %arg4[%add3A_23, %dma_wait3A_71] : memref<16384x128xi32, #tpu.memory_space<hbm>> -> memref<128x128xi32, #tpu.memory_space<hbm>>
      tpu.wait_dma2 semaphore(%run_scoped3A : memref<!tpu.dma_semaphore, #tpu.memory_space<semaphore_mem>>) src(%arg6 : memref<128x128xi32, #tpu.memory_space<vmem>>) dst(%dma_wait3A_72 : memref<128x128xi32, #tpu.memory_space<hbm>>)
      tpu.yield
    }) : () -> ()
    %dma_wait3A_24 = arith.constant 1 : i32
    %dma_wait3A_25 = arith.constant 0 : i32
    %dma_wait3A_26 = tpu.memref_slice %arg5[%dma_wait3A_24, %dma_wait3A_25] : memref<4x128xi32, #tpu.memory_space<vmem>> -> memref<1x128xi32, #tpu.memory_space<vmem>>
    %dma_wait3A_27 = tpu.memref_squeeze %dma_wait3A_26 : memref<1x128xi32, #tpu.memory_space<vmem>> -> memref<128xi32, #tpu.memory_space<vmem>>
    %dma_wait3A_28 = arith.constant 0 : i32
    %dma_wait3A_29 = arith.constant 0 : i32
    %dma_wait3A_30 = tpu.memref_slice %arg2[%dma_wait3A_28, %dma_wait3A_29] : memref<500000x128xi32, #tpu.memory_space<hbm>> -> memref<500000x128xi32, #tpu.memory_space<hbm>>
    tpu.wait_indirect_dma semaphore(%arg8 : memref<!tpu.dma_semaphore, #tpu.memory_space<semaphore_mem>>) src(%dma_wait3A_30 : memref<500000x128xi32, #tpu.memory_space<hbm>>) dst(%arg7 : memref<128x128xi32, #tpu.memory_space<vmem>>)
    %add3A_31 = arith.constant 128 : i32
    %add3A_32 = arith.addi %mul3A_2, %add3A_31 : i32
    "tpu.region"() ({
      %run_scoped3A = tpu.sem_alloc : memref<!tpu.dma_semaphore, #tpu.memory_space<semaphore_mem>>
      %dma_start3A_65 = arith.constant 0 : i32
      %dma_start3A_66 = tpu.memref_slice %arg4[%add3A_32, %dma_start3A_65] : memref<16384x128xi32, #tpu.memory_space<hbm>> -> memref<128x128xi32, #tpu.memory_space<hbm>>
      %dma_start3A_67 = arith.constant 0 : i32
      %dma_start3A_68 = tpu.memref_slice %arg4[%add3A_32, %dma_start3A_67] : memref<16384x128xi32, #tpu.memory_space<hbm>> -> memref<128x128xi32, #tpu.memory_space<hbm>>
      tpu.enqueue_dma source(%arg7 : memref<128x128xi32, #tpu.memory_space<vmem>>) target(%dma_start3A_68 : memref<128x128xi32, #tpu.memory_space<hbm>>) target_semaphore(%run_scoped3A : memref<!tpu.dma_semaphore, #tpu.memory_space<semaphore_mem>>)
      %dma_wait3A_69 = arith.constant 0 : i32
      %dma_wait3A_70 = tpu.memref_slice %arg4[%add3A_32, %dma_wait3A_69] : memref<16384x128xi32, #tpu.memory_space<hbm>> -> memref<128x128xi32, #tpu.memory_space<hbm>>
      %dma_wait3A_71 = arith.constant 0 : i32
      %dma_wait3A_72 = tpu.memref_slice %arg4[%add3A_32, %dma_wait3A_71] : memref<16384x128xi32, #tpu.memory_space<hbm>> -> memref<128x128xi32, #tpu.memory_space<hbm>>
      tpu.wait_dma2 semaphore(%run_scoped3A : memref<!tpu.dma_semaphore, #tpu.memory_space<semaphore_mem>>) src(%arg7 : memref<128x128xi32, #tpu.memory_space<vmem>>) dst(%dma_wait3A_72 : memref<128x128xi32, #tpu.memory_space<hbm>>)
      tpu.yield
    }) : () -> ()
    %dma_start3A_33 = arith.constant 2 : i32
    %dma_start3A_34 = arith.constant 0 : i32
    %dma_start3A_35 = tpu.memref_slice %arg5[%dma_start3A_33, %dma_start3A_34] : memref<4x128xi32, #tpu.memory_space<vmem>> -> memref<1x128xi32, #tpu.memory_space<vmem>>
    %dma_start3A_36 = tpu.memref_squeeze %dma_start3A_35 : memref<1x128xi32, #tpu.memory_space<vmem>> -> memref<128xi32, #tpu.memory_space<vmem>>
    %dma_start3A_37 = arith.constant 0 : i32
    %dma_start3A_38 = arith.constant 0 : i32
    %dma_start3A_39 = tpu.memref_slice %arg2[%dma_start3A_37, %dma_start3A_38] : memref<500000x128xi32, #tpu.memory_space<hbm>> -> memref<500000x128xi32, #tpu.memory_space<hbm>>
    tpu.enqueue_indirect_dma source(%dma_start3A_39 : memref<500000x128xi32, #tpu.memory_space<hbm>>) target(%arg6 : memref<128x128xi32, #tpu.memory_space<vmem>>) offsets(%dma_start3A_36 : memref<128xi32, #tpu.memory_space<vmem>>) semaphore(%arg8 : memref<!tpu.dma_semaphore, #tpu.memory_space<semaphore_mem>>)
    %dma_start3A_40 = arith.constant 3 : i32
    %dma_start3A_41 = arith.constant 0 : i32
    %dma_start3A_42 = tpu.memref_slice %arg5[%dma_start3A_40, %dma_start3A_41] : memref<4x128xi32, #tpu.memory_space<vmem>> -> memref<1x128xi32, #tpu.memory_space<vmem>>
    %dma_start3A_43 = tpu.memref_squeeze %dma_start3A_42 : memref<1x128xi32, #tpu.memory_space<vmem>> -> memref<128xi32, #tpu.memory_space<vmem>>
    %dma_start3A_44 = arith.constant 0 : i32
    %dma_start3A_45 = arith.constant 0 : i32
    %dma_start3A_46 = tpu.memref_slice %arg2[%dma_start3A_44, %dma_start3A_45] : memref<500000x128xi32, #tpu.memory_space<hbm>> -> memref<500000x128xi32, #tpu.memory_space<hbm>>
    tpu.enqueue_indirect_dma source(%dma_start3A_46 : memref<500000x128xi32, #tpu.memory_space<hbm>>) target(%arg7 : memref<128x128xi32, #tpu.memory_space<vmem>>) offsets(%dma_start3A_43 : memref<128xi32, #tpu.memory_space<vmem>>) semaphore(%arg8 : memref<!tpu.dma_semaphore, #tpu.memory_space<semaphore_mem>>)
    %dma_wait3A_47 = arith.constant 2 : i32
    %dma_wait3A_48 = arith.constant 0 : i32
    %dma_wait3A_49 = tpu.memref_slice %arg5[%dma_wait3A_47, %dma_wait3A_48] : memref<4x128xi32, #tpu.memory_space<vmem>> -> memref<1x128xi32, #tpu.memory_space<vmem>>
    %dma_wait3A_50 = tpu.memref_squeeze %dma_wait3A_49 : memref<1x128xi32, #tpu.memory_space<vmem>> -> memref<128xi32, #tpu.memory_space<vmem>>
    %dma_wait3A_51 = arith.constant 0 : i32
    %dma_wait3A_52 = arith.constant 0 : i32
    %dma_wait3A_53 = tpu.memref_slice %arg2[%dma_wait3A_51, %dma_wait3A_52] : memref<500000x128xi32, #tpu.memory_space<hbm>> -> memref<500000x128xi32, #tpu.memory_space<hbm>>
    tpu.wait_indirect_dma semaphore(%arg8 : memref<!tpu.dma_semaphore, #tpu.memory_space<semaphore_mem>>) src(%dma_wait3A_53 : memref<500000x128xi32, #tpu.memory_space<hbm>>) dst(%arg6 : memref<128x128xi32, #tpu.memory_space<vmem>>)
    %add3A_54 = arith.constant 256 : i32
    %add3A_55 = arith.addi %mul3A_2, %add3A_54 : i32
    "tpu.region"() ({
      %run_scoped3A = tpu.sem_alloc : memref<!tpu.dma_semaphore, #tpu.memory_space<semaphore_mem>>
      %dma_start3A_65 = arith.constant 0 : i32
      %dma_start3A_66 = tpu.memref_slice %arg4[%add3A_55, %dma_start3A_65] : memref<16384x128xi32, #tpu.memory_space<hbm>> -> memref<128x128xi32, #tpu.memory_space<hbm>>
      %dma_start3A_67 = arith.constant 0 : i32
      %dma_start3A_68 = tpu.memref_slice %arg4[%add3A_55, %dma_start3A_67] : memref<16384x128xi32, #tpu.memory_space<hbm>> -> memref<128x128xi32, #tpu.memory_space<hbm>>
      tpu.enqueue_dma source(%arg6 : memref<128x128xi32, #tpu.memory_space<vmem>>) target(%dma_start3A_68 : memref<128x128xi32, #tpu.memory_space<hbm>>) target_semaphore(%run_scoped3A : memref<!tpu.dma_semaphore, #tpu.memory_space<semaphore_mem>>)
      %dma_wait3A_69 = arith.constant 0 : i32
      %dma_wait3A_70 = tpu.memref_slice %arg4[%add3A_55, %dma_wait3A_69] : memref<16384x128xi32, #tpu.memory_space<hbm>> -> memref<128x128xi32, #tpu.memory_space<hbm>>
      %dma_wait3A_71 = arith.constant 0 : i32
      %dma_wait3A_72 = tpu.memref_slice %arg4[%add3A_55, %dma_wait3A_71] : memref<16384x128xi32, #tpu.memory_space<hbm>> -> memref<128x128xi32, #tpu.memory_space<hbm>>
      tpu.wait_dma2 semaphore(%run_scoped3A : memref<!tpu.dma_semaphore, #tpu.memory_space<semaphore_mem>>) src(%arg6 : memref<128x128xi32, #tpu.memory_space<vmem>>) dst(%dma_wait3A_72 : memref<128x128xi32, #tpu.memory_space<hbm>>)
      tpu.yield
    }) : () -> ()
    %dma_wait3A_56 = arith.constant 3 : i32
    %dma_wait3A_57 = arith.constant 0 : i32
    %dma_wait3A_58 = tpu.memref_slice %arg5[%dma_wait3A_56, %dma_wait3A_57] : memref<4x128xi32, #tpu.memory_space<vmem>> -> memref<1x128xi32, #tpu.memory_space<vmem>>
    %dma_wait3A_59 = tpu.memref_squeeze %dma_wait3A_58 : memref<1x128xi32, #tpu.memory_space<vmem>> -> memref<128xi32, #tpu.memory_space<vmem>>
    %dma_wait3A_60 = arith.constant 0 : i32
    %dma_wait3A_61 = arith.constant 0 : i32
    %dma_wait3A_62 = tpu.memref_slice %arg2[%dma_wait3A_60, %dma_wait3A_61] : memref<500000x128xi32, #tpu.memory_space<hbm>> -> memref<500000x128xi32, #tpu.memory_space<hbm>>
    tpu.wait_indirect_dma semaphore(%arg8 : memref<!tpu.dma_semaphore, #tpu.memory_space<semaphore_mem>>) src(%dma_wait3A_62 : memref<500000x128xi32, #tpu.memory_space<hbm>>) dst(%arg7 : memref<128x128xi32, #tpu.memory_space<vmem>>)
    %add3A_63 = arith.constant 384 : i32
    %add3A_64 = arith.addi %mul3A_2, %add3A_63 : i32
    "tpu.region"() ({
      %run_scoped3A = tpu.sem_alloc : memref<!tpu.dma_semaphore, #tpu.memory_space<semaphore_mem>>
      %dma_start3A_65 = arith.constant 0 : i32
      %dma_start3A_66 = tpu.memref_slice %arg4[%add3A_64, %dma_start3A_65] : memref<16384x128xi32, #tpu.memory_space<hbm>> -> memref<128x128xi32, #tpu.memory_space<hbm>>
      %dma_start3A_67 = arith.constant 0 : i32
      %dma_start3A_68 = tpu.memref_slice %arg4[%add3A_64, %dma_start3A_67] : memref<16384x128xi32, #tpu.memory_space<hbm>> -> memref<128x128xi32, #tpu.memory_space<hbm>>
      tpu.enqueue_dma source(%arg7 : memref<128x128xi32, #tpu.memory_space<vmem>>) target(%dma_start3A_68 : memref<128x128xi32, #tpu.memory_space<hbm>>) target_semaphore(%run_scoped3A : memref<!tpu.dma_semaphore, #tpu.memory_space<semaphore_mem>>)
      %dma_wait3A_69 = arith.constant 0 : i32
      %dma_wait3A_70 = tpu.memref_slice %arg4[%add3A_64, %dma_wait3A_69] : memref<16384x128xi32, #tpu.memory_space<hbm>> -> memref<128x128xi32, #tpu.memory_space<hbm>>
      %dma_wait3A_71 = arith.constant 0 : i32
      %dma_wait3A_72 = tpu.memref_slice %arg4[%add3A_64, %dma_wait3A_71] : memref<16384x128xi32, #tpu.memory_space<hbm>> -> memref<128x128xi32, #tpu.memory_space<hbm>>
      tpu.wait_dma2 semaphore(%run_scoped3A : memref<!tpu.dma_semaphore, #tpu.memory_space<semaphore_mem>>) src(%arg7 : memref<128x128xi32, #tpu.memory_space<vmem>>) dst(%dma_wait3A_72 : memref<128x128xi32, #tpu.memory_space<hbm>>)
      tpu.yield
    }) : () -> ()
    return
  }
}

#map = affine_map<(d0, d1) -> (0, 0)>
#map1 = affine_map<(d0, d1) -> (0, 0, 0)>
module attributes {stable_mosaic.version = 14 : i64} {
  func.func @_sc_gather_kernel(%arg0: i32, %arg1: i32, %arg2: memref<500000x128xi32, #tpu.memory_space<hbm>>, %arg3: memref<32x4x128xi32, #tpu.memory_space<hbm>>, %arg4: memref<16384x128xi32, #tpu.memory_space<hbm>>, %arg5: memref<4x128xi32, #tpu.memory_space<vmem>>, %arg6: memref<128x128xi32, #tpu.memory_space<vmem>>, %arg7: memref<128x128xi32, #tpu.memory_space<vmem>>, %arg8: memref<!tpu.dma_semaphore, #tpu.memory_space<semaphore_mem>>) attributes {dimension_semantics = [#tpu.dimension_semantics<core_parallel>, #tpu.dimension_semantics<subcore_parallel>], iteration_bounds = array<i64: 2, 16>, scalar_prefetch = 0 : i64, scratch_operands = 4 : i64, tpu.core_type = #tpu.core_type<sc_vector_subcore>, window_params = [{transform_indices = #map}, {transform_indices = #map1}, {transform_indices = #map}]} {
    %mul3A = arith.constant 2 : i32
    %mul3A_0 = arith.muli %arg1, %mul3A : i32
    %add3A = arith.addi %mul3A_0, %arg0 : i32
    "tpu.region"() ({
      %run_scoped3A = tpu.sem_alloc : memref<!tpu.dma_semaphore, #tpu.memory_space<semaphore_mem>>
      %dma_start3A_65 = arith.constant 0 : i32
      %dma_start3A_66 = arith.constant 0 : i32
      %dma_start3A_67 = tpu.memref_slice %arg3[%add3A, %dma_start3A_65, %dma_start3A_66] : memref<32x4x128xi32, #tpu.memory_space<hbm>> -> memref<1x4x128xi32, #tpu.memory_space<hbm>>
      %dma_start3A_68 = tpu.memref_squeeze %dma_start3A_67 : memref<1x4x128xi32, #tpu.memory_space<hbm>> -> memref<4x128xi32, #tpu.memory_space<hbm>>
      %dma_start3A_69 = arith.constant 0 : i32
      %dma_start3A_70 = arith.constant 0 : i32
      %dma_start3A_71 = tpu.memref_slice %arg3[%add3A, %dma_start3A_69, %dma_start3A_70] : memref<32x4x128xi32, #tpu.memory_space<hbm>> -> memref<1x4x128xi32, #tpu.memory_space<hbm>>
      %dma_start3A_72 = tpu.memref_squeeze %dma_start3A_71 : memref<1x4x128xi32, #tpu.memory_space<hbm>> -> memref<4x128xi32, #tpu.memory_space<hbm>>
      tpu.enqueue_dma source(%dma_start3A_72 : memref<4x128xi32, #tpu.memory_space<hbm>>) target(%arg5 : memref<4x128xi32, #tpu.memory_space<vmem>>) target_semaphore(%run_scoped3A : memref<!tpu.dma_semaphore, #tpu.memory_space<semaphore_mem>>)
      %dma_wait3A_73 = arith.constant 0 : i32
      %dma_wait3A_74 = arith.constant 0 : i32
      %dma_wait3A_75 = tpu.memref_slice %arg3[%add3A, %dma_wait3A_73, %dma_wait3A_74] : memref<32x4x128xi32, #tpu.memory_space<hbm>> -> memref<1x4x128xi32, #tpu.memory_space<hbm>>
      %dma_wait3A_76 = tpu.memref_squeeze %dma_wait3A_75 : memref<1x4x128xi32, #tpu.memory_space<hbm>> -> memref<4x128xi32, #tpu.memory_space<hbm>>
      %dma_wait3A_77 = arith.constant 0 : i32
      %dma_wait3A_78 = arith.constant 0 : i32
      %dma_wait3A_79 = tpu.memref_slice %arg3[%add3A, %dma_wait3A_77, %dma_wait3A_78] : memref<32x4x128xi32, #tpu.memory_space<hbm>> -> memref<1x4x128xi32, #tpu.memory_space<hbm>>
      %dma_wait3A_80 = tpu.memref_squeeze %dma_wait3A_79 : memref<1x4x128xi32, #tpu.memory_space<hbm>> -> memref<4x128xi32, #tpu.memory_space<hbm>>
      tpu.wait_dma2 semaphore(%run_scoped3A : memref<!tpu.dma_semaphore, #tpu.memory_space<semaphore_mem>>) src(%dma_wait3A_80 : memref<4x128xi32, #tpu.memory_space<hbm>>) dst(%arg5 : memref<4x128xi32, #tpu.memory_space<vmem>>)
      tpu.yield
    }) : () -> ()
    %mul3A_1 = arith.constant 512 : i32
    %mul3A_2 = arith.muli %add3A, %mul3A_1 : i32
    %dma_start3A = arith.constant 0 : i32
    %dma_start3A_3 = arith.constant 0 : i32
    %dma_start3A_4 = tpu.memref_slice %arg5[%dma_start3A, %dma_start3A_3] : memref<4x128xi32, #tpu.memory_space<vmem>> -> memref<1x128xi32, #tpu.memory_space<vmem>>
    %dma_start3A_5 = tpu.memref_squeeze %dma_start3A_4 : memref<1x128xi32, #tpu.memory_space<vmem>> -> memref<128xi32, #tpu.memory_space<vmem>>
    %dma_start3A_6 = arith.constant 0 : i32
    %dma_start3A_7 = arith.constant 0 : i32
    %dma_start3A_8 = tpu.memref_slice %arg2[%dma_start3A_6, %dma_start3A_7] : memref<500000x128xi32, #tpu.memory_space<hbm>> -> memref<500000x128xi32, #tpu.memory_space<hbm>>
    tpu.enqueue_indirect_dma source(%dma_start3A_8 : memref<500000x128xi32, #tpu.memory_space<hbm>>) target(%arg6 : memref<128x128xi32, #tpu.memory_space<vmem>>) offsets(%dma_start3A_5 : memref<128xi32, #tpu.memory_space<vmem>>) semaphore(%arg8 : memref<!tpu.dma_semaphore, #tpu.memory_space<semaphore_mem>>)
    %dma_start3A_9 = arith.constant 1 : i32
    %dma_start3A_10 = arith.constant 0 : i32
    %dma_start3A_11 = tpu.memref_slice %arg5[%dma_start3A_9, %dma_start3A_10] : memref<4x128xi32, #tpu.memory_space<vmem>> -> memref<1x128xi32, #tpu.memory_space<vmem>>
    %dma_start3A_12 = tpu.memref_squeeze %dma_start3A_11 : memref<1x128xi32, #tpu.memory_space<vmem>> -> memref<128xi32, #tpu.memory_space<vmem>>
    %dma_start3A_13 = arith.constant 0 : i32
    %dma_start3A_14 = arith.constant 0 : i32
    %dma_start3A_15 = tpu.memref_slice %arg2[%dma_start3A_13, %dma_start3A_14] : memref<500000x128xi32, #tpu.memory_space<hbm>> -> memref<500000x128xi32, #tpu.memory_space<hbm>>
    tpu.enqueue_indirect_dma source(%dma_start3A_15 : memref<500000x128xi32, #tpu.memory_space<hbm>>) target(%arg7 : memref<128x128xi32, #tpu.memory_space<vmem>>) offsets(%dma_start3A_12 : memref<128xi32, #tpu.memory_space<vmem>>) semaphore(%arg8 : memref<!tpu.dma_semaphore, #tpu.memory_space<semaphore_mem>>)
    %dma_wait3A = arith.constant 0 : i32
    %dma_wait3A_16 = arith.constant 0 : i32
    %dma_wait3A_17 = tpu.memref_slice %arg5[%dma_wait3A, %dma_wait3A_16] : memref<4x128xi32, #tpu.memory_space<vmem>> -> memref<1x128xi32, #tpu.memory_space<vmem>>
    %dma_wait3A_18 = tpu.memref_squeeze %dma_wait3A_17 : memref<1x128xi32, #tpu.memory_space<vmem>> -> memref<128xi32, #tpu.memory_space<vmem>>
    %dma_wait3A_19 = arith.constant 0 : i32
    %dma_wait3A_20 = arith.constant 0 : i32
    %dma_wait3A_21 = tpu.memref_slice %arg2[%dma_wait3A_19, %dma_wait3A_20] : memref<500000x128xi32, #tpu.memory_space<hbm>> -> memref<500000x128xi32, #tpu.memory_space<hbm>>
    tpu.wait_indirect_dma semaphore(%arg8 : memref<!tpu.dma_semaphore, #tpu.memory_space<semaphore_mem>>) src(%dma_wait3A_21 : memref<500000x128xi32, #tpu.memory_space<hbm>>) dst(%arg6 : memref<128x128xi32, #tpu.memory_space<vmem>>)
    %add3A_22 = arith.constant 0 : i32
    %add3A_23 = arith.addi %mul3A_2, %add3A_22 : i32
    "tpu.region"() ({
      %run_scoped3A = tpu.sem_alloc : memref<!tpu.dma_semaphore, #tpu.memory_space<semaphore_mem>>
      %dma_start3A_65 = arith.constant 0 : i32
      %dma_start3A_66 = tpu.memref_slice %arg4[%add3A_23, %dma_start3A_65] : memref<16384x128xi32, #tpu.memory_space<hbm>> -> memref<128x128xi32, #tpu.memory_space<hbm>>
      %dma_start3A_67 = arith.constant 0 : i32
      %dma_start3A_68 = tpu.memref_slice %arg4[%add3A_23, %dma_start3A_67] : memref<16384x128xi32, #tpu.memory_space<hbm>> -> memref<128x128xi32, #tpu.memory_space<hbm>>
      tpu.enqueue_dma source(%arg6 : memref<128x128xi32, #tpu.memory_space<vmem>>) target(%dma_start3A_68 : memref<128x128xi32, #tpu.memory_space<hbm>>) target_semaphore(%run_scoped3A : memref<!tpu.dma_semaphore, #tpu.memory_space<semaphore_mem>>)
      %dma_wait3A_69 = arith.constant 0 : i32
      %dma_wait3A_70 = tpu.memref_slice %arg4[%add3A_23, %dma_wait3A_69] : memref<16384x128xi32, #tpu.memory_space<hbm>> -> memref<128x128xi32, #tpu.memory_space<hbm>>
      %dma_wait3A_71 = arith.constant 0 : i32
      %dma_wait3A_72 = tpu.memref_slice %arg4[%add3A_23, %dma_wait3A_71] : memref<16384x128xi32, #tpu.memory_space<hbm>> -> memref<128x128xi32, #tpu.memory_space<hbm>>
      tpu.wait_dma2 semaphore(%run_scoped3A : memref<!tpu.dma_semaphore, #tpu.memory_space<semaphore_mem>>) src(%arg6 : memref<128x128xi32, #tpu.memory_space<vmem>>) dst(%dma_wait3A_72 : memref<128x128xi32, #tpu.memory_space<hbm>>)
      tpu.yield
    }) : () -> ()
    %dma_wait3A_24 = arith.constant 1 : i32
    %dma_wait3A_25 = arith.constant 0 : i32
    %dma_wait3A_26 = tpu.memref_slice %arg5[%dma_wait3A_24, %dma_wait3A_25] : memref<4x128xi32, #tpu.memory_space<vmem>> -> memref<1x128xi32, #tpu.memory_space<vmem>>
    %dma_wait3A_27 = tpu.memref_squeeze %dma_wait3A_26 : memref<1x128xi32, #tpu.memory_space<vmem>> -> memref<128xi32, #tpu.memory_space<vmem>>
    %dma_wait3A_28 = arith.constant 0 : i32
    %dma_wait3A_29 = arith.constant 0 : i32
    %dma_wait3A_30 = tpu.memref_slice %arg2[%dma_wait3A_28, %dma_wait3A_29] : memref<500000x128xi32, #tpu.memory_space<hbm>> -> memref<500000x128xi32, #tpu.memory_space<hbm>>
    tpu.wait_indirect_dma semaphore(%arg8 : memref<!tpu.dma_semaphore, #tpu.memory_space<semaphore_mem>>) src(%dma_wait3A_30 : memref<500000x128xi32, #tpu.memory_space<hbm>>) dst(%arg7 : memref<128x128xi32, #tpu.memory_space<vmem>>)
    %add3A_31 = arith.constant 128 : i32
    %add3A_32 = arith.addi %mul3A_2, %add3A_31 : i32
    "tpu.region"() ({
      %run_scoped3A = tpu.sem_alloc : memref<!tpu.dma_semaphore, #tpu.memory_space<semaphore_mem>>
      %dma_start3A_65 = arith.constant 0 : i32
      %dma_start3A_66 = tpu.memref_slice %arg4[%add3A_32, %dma_start3A_65] : memref<16384x128xi32, #tpu.memory_space<hbm>> -> memref<128x128xi32, #tpu.memory_space<hbm>>
      %dma_start3A_67 = arith.constant 0 : i32
      %dma_start3A_68 = tpu.memref_slice %arg4[%add3A_32, %dma_start3A_67] : memref<16384x128xi32, #tpu.memory_space<hbm>> -> memref<128x128xi32, #tpu.memory_space<hbm>>
      tpu.enqueue_dma source(%arg7 : memref<128x128xi32, #tpu.memory_space<vmem>>) target(%dma_start3A_68 : memref<128x128xi32, #tpu.memory_space<hbm>>) target_semaphore(%run_scoped3A : memref<!tpu.dma_semaphore, #tpu.memory_space<semaphore_mem>>)
      %dma_wait3A_69 = arith.constant 0 : i32
      %dma_wait3A_70 = tpu.memref_slice %arg4[%add3A_32, %dma_wait3A_69] : memref<16384x128xi32, #tpu.memory_space<hbm>> -> memref<128x128xi32, #tpu.memory_space<hbm>>
      %dma_wait3A_71 = arith.constant 0 : i32
      %dma_wait3A_72 = tpu.memref_slice %arg4[%add3A_32, %dma_wait3A_71] : memref<16384x128xi32, #tpu.memory_space<hbm>> -> memref<128x128xi32, #tpu.memory_space<hbm>>
      tpu.wait_dma2 semaphore(%run_scoped3A : memref<!tpu.dma_semaphore, #tpu.memory_space<semaphore_mem>>) src(%arg7 : memref<128x128xi32, #tpu.memory_space<vmem>>) dst(%dma_wait3A_72 : memref<128x128xi32, #tpu.memory_space<hbm>>)
      tpu.yield
    }) : () -> ()
    %dma_start3A_33 = arith.constant 2 : i32
    %dma_start3A_34 = arith.constant 0 : i32
    %dma_start3A_35 = tpu.memref_slice %arg5[%dma_start3A_33, %dma_start3A_34] : memref<4x128xi32, #tpu.memory_space<vmem>> -> memref<1x128xi32, #tpu.memory_space<vmem>>
    %dma_start3A_36 = tpu.memref_squeeze %dma_start3A_35 : memref<1x128xi32, #tpu.memory_space<vmem>> -> memref<128xi32, #tpu.memory_space<vmem>>
    %dma_start3A_37 = arith.constant 0 : i32
    %dma_start3A_38 = arith.constant 0 : i32
    %dma_start3A_39 = tpu.memref_slice %arg2[%dma_start3A_37, %dma_start3A_38] : memref<500000x128xi32, #tpu.memory_space<hbm>> -> memref<500000x128xi32, #tpu.memory_space<hbm>>
    tpu.enqueue_indirect_dma source(%dma_start3A_39 : memref<500000x128xi32, #tpu.memory_space<hbm>>) target(%arg6 : memref<128x128xi32, #tpu.memory_space<vmem>>) offsets(%dma_start3A_36 : memref<128xi32, #tpu.memory_space<vmem>>) semaphore(%arg8 : memref<!tpu.dma_semaphore, #tpu.memory_space<semaphore_mem>>)
    %dma_start3A_40 = arith.constant 3 : i32
    %dma_start3A_41 = arith.constant 0 : i32
    %dma_start3A_42 = tpu.memref_slice %arg5[%dma_start3A_40, %dma_start3A_41] : memref<4x128xi32, #tpu.memory_space<vmem>> -> memref<1x128xi32, #tpu.memory_space<vmem>>
    %dma_start3A_43 = tpu.memref_squeeze %dma_start3A_42 : memref<1x128xi32, #tpu.memory_space<vmem>> -> memref<128xi32, #tpu.memory_space<vmem>>
    %dma_start3A_44 = arith.constant 0 : i32
    %dma_start3A_45 = arith.constant 0 : i32
    %dma_start3A_46 = tpu.memref_slice %arg2[%dma_start3A_44, %dma_start3A_45] : memref<500000x128xi32, #tpu.memory_space<hbm>> -> memref<500000x128xi32, #tpu.memory_space<hbm>>
    tpu.enqueue_indirect_dma source(%dma_start3A_46 : memref<500000x128xi32, #tpu.memory_space<hbm>>) target(%arg7 : memref<128x128xi32, #tpu.memory_space<vmem>>) offsets(%dma_start3A_43 : memref<128xi32, #tpu.memory_space<vmem>>) semaphore(%arg8 : memref<!tpu.dma_semaphore, #tpu.memory_space<semaphore_mem>>)
    %dma_wait3A_47 = arith.constant 2 : i32
    %dma_wait3A_48 = arith.constant 0 : i32
    %dma_wait3A_49 = tpu.memref_slice %arg5[%dma_wait3A_47, %dma_wait3A_48] : memref<4x128xi32, #tpu.memory_space<vmem>> -> memref<1x128xi32, #tpu.memory_space<vmem>>
    %dma_wait3A_50 = tpu.memref_squeeze %dma_wait3A_49 : memref<1x128xi32, #tpu.memory_space<vmem>> -> memref<128xi32, #tpu.memory_space<vmem>>
    %dma_wait3A_51 = arith.constant 0 : i32
    %dma_wait3A_52 = arith.constant 0 : i32
    %dma_wait3A_53 = tpu.memref_slice %arg2[%dma_wait3A_51, %dma_wait3A_52] : memref<500000x128xi32, #tpu.memory_space<hbm>> -> memref<500000x128xi32, #tpu.memory_space<hbm>>
    tpu.wait_indirect_dma semaphore(%arg8 : memref<!tpu.dma_semaphore, #tpu.memory_space<semaphore_mem>>) src(%dma_wait3A_53 : memref<500000x128xi32, #tpu.memory_space<hbm>>) dst(%arg6 : memref<128x128xi32, #tpu.memory_space<vmem>>)
    %add3A_54 = arith.constant 256 : i32
    %add3A_55 = arith.addi %mul3A_2, %add3A_54 : i32
    "tpu.region"() ({
      %run_scoped3A = tpu.sem_alloc : memref<!tpu.dma_semaphore, #tpu.memory_space<semaphore_mem>>
      %dma_start3A_65 = arith.constant 0 : i32
      %dma_start3A_66 = tpu.memref_slice %arg4[%add3A_55, %dma_start3A_65] : memref<16384x128xi32, #tpu.memory_space<hbm>> -> memref<128x128xi32, #tpu.memory_space<hbm>>
      %dma_start3A_67 = arith.constant 0 : i32
      %dma_start3A_68 = tpu.memref_slice %arg4[%add3A_55, %dma_start3A_67] : memref<16384x128xi32, #tpu.memory_space<hbm>> -> memref<128x128xi32, #tpu.memory_space<hbm>>
      tpu.enqueue_dma source(%arg6 : memref<128x128xi32, #tpu.memory_space<vmem>>) target(%dma_start3A_68 : memref<128x128xi32, #tpu.memory_space<hbm>>) target_semaphore(%run_scoped3A : memref<!tpu.dma_semaphore, #tpu.memory_space<semaphore_mem>>)
      %dma_wait3A_69 = arith.constant 0 : i32
      %dma_wait3A_70 = tpu.memref_slice %arg4[%add3A_55, %dma_wait3A_69] : memref<16384x128xi32, #tpu.memory_space<hbm>> -> memref<128x128xi32, #tpu.memory_space<hbm>>
      %dma_wait3A_71 = arith.constant 0 : i32
      %dma_wait3A_72 = tpu.memref_slice %arg4[%add3A_55, %dma_wait3A_71] : memref<16384x128xi32, #tpu.memory_space<hbm>> -> memref<128x128xi32, #tpu.memory_space<hbm>>
      tpu.wait_dma2 semaphore(%run_scoped3A : memref<!tpu.dma_semaphore, #tpu.memory_space<semaphore_mem>>) src(%arg6 : memref<128x128xi32, #tpu.memory_space<vmem>>) dst(%dma_wait3A_72 : memref<128x128xi32, #tpu.memory_space<hbm>>)
      tpu.yield
    }) : () -> ()
    %dma_wait3A_56 = arith.constant 3 : i32
    %dma_wait3A_57 = arith.constant 0 : i32
    %dma_wait3A_58 = tpu.memref_slice %arg5[%dma_wait3A_56, %dma_wait3A_57] : memref<4x128xi32, #tpu.memory_space<vmem>> -> memref<1x128xi32, #tpu.memory_space<vmem>>
    %dma_wait3A_59 = tpu.memref_squeeze %dma_wait3A_58 : memref<1x128xi32, #tpu.memory_space<vmem>> -> memref<128xi32, #tpu.memory_space<vmem>>
    %dma_wait3A_60 = arith.constant 0 : i32
    %dma_wait3A_61 = arith.constant 0 : i32
    %dma_wait3A_62 = tpu.memref_slice %arg2[%dma_wait3A_60, %dma_wait3A_61] : memref<500000x128xi32, #tpu.memory_space<hbm>> -> memref<500000x128xi32, #tpu.memory_space<hbm>>
    tpu.wait_indirect_dma semaphore(%arg8 : memref<!tpu.dma_semaphore, #tpu.memory_space<semaphore_mem>>) src(%dma_wait3A_62 : memref<500000x128xi32, #tpu.memory_space<hbm>>) dst(%arg7 : memref<128x128xi32, #tpu.memory_space<vmem>>)
    %add3A_63 = arith.constant 384 : i32
    %add3A_64 = arith.addi %mul3A_2, %add3A_63 : i32
    "tpu.region"() ({
      %run_scoped3A = tpu.sem_alloc : memref<!tpu.dma_semaphore, #tpu.memory_space<semaphore_mem>>
      %dma_start3A_65 = arith.constant 0 : i32
      %dma_start3A_66 = tpu.memref_slice %arg4[%add3A_64, %dma_start3A_65] : memref<16384x128xi32, #tpu.memory_space<hbm>> -> memref<128x128xi32, #tpu.memory_space<hbm>>
      %dma_start3A_67 = arith.constant 0 : i32
      %dma_start3A_68 = tpu.memref_slice %arg4[%add3A_64, %dma_start3A_67] : memref<16384x128xi32, #tpu.memory_space<hbm>> -> memref<128x128xi32, #tpu.memory_space<hbm>>
      tpu.enqueue_dma source(%arg7 : memref<128x128xi32, #tpu.memory_space<vmem>>) target(%dma_start3A_68 : memref<128x128xi32, #tpu.memory_space<hbm>>) target_semaphore(%run_scoped3A : memref<!tpu.dma_semaphore, #tpu.memory_space<semaphore_mem>>)
      %dma_wait3A_69 = arith.constant 0 : i32
      %dma_wait3A_70 = tpu.memref_slice %arg4[%add3A_64, %dma_wait3A_69] : memref<16384x128xi32, #tpu.memory_space<hbm>> -> memref<128x128xi32, #tpu.memory_space<hbm>>
      %dma_wait3A_71 = arith.constant 0 : i32
      %dma_wait3A_72 = tpu.memref_slice %arg4[%add3A_64, %dma_wait3A_71] : memref<16384x128xi32, #tpu.memory_space<hbm>> -> memref<128x128xi32, #tpu.memory_space<hbm>>
      tpu.wait_dma2 semaphore(%run_scoped3A : memref<!tpu.dma_semaphore, #tpu.memory_space<semaphore_mem>>) src(%arg7 : memref<128x128xi32, #tpu.memory_space<vmem>>) dst(%dma_wait3A_72 : memref<128x128xi32, #tpu.memory_space<hbm>>)
      tpu.yield
    }) : () -> ()
    return
  }
}

module attributes {stable_mosaic.version = 14 : i64} {
  func.func @_g_matmul_kernel(%arg0: i32, %arg1: memref<64x32768xf32, #tpu.memory_space<vmem>>, %arg2: memref<64x128xf32, #tpu.memory_space<vmem>>, %arg3: memref<16384x128xi32, #tpu.memory_space<vmem>>) attributes {dimension_semantics = [#tpu.dimension_semantics<arbitrary>], iteration_bounds = array<i64: 31>, scalar_prefetch = 0 : i64, scratch_operands = 0 : i64, tpu.core_type = #tpu.core_type<tc>, window_params = [{transform_indices = @transform_0, window_bounds = array<i64: 64, 32768>}, {pipeline_mode = #tpu.pipeline_mode<synchronous>, transform_indices = @transform_1, window_bounds = array<i64: 64, 128>}, {transform_indices = @transform_2, window_bounds = array<i64: 16384, 128>}]} {
    %get3A = arith.constant 0 : index
    %get3A_0 = arith.constant 0 : index
    %get3A_1 = vector.load %arg1[%get3A, %get3A_0] : memref<64x32768xf32, #tpu.memory_space<vmem>>, vector<64x32768xf32>
    %convert_element_type3A = arith.truncf %get3A_1 : vector<64x32768xf32> to vector<64x32768xbf16>
    %get3A_2 = arith.constant 0 : index
    %get3A_3 = arith.constant 0 : index
    %get3A_4 = vector.load %arg2[%get3A_2, %get3A_3] : memref<64x128xf32, #tpu.memory_space<vmem>>, vector<64x128xf32>
    %convert_element_type3A_5 = arith.truncf %get3A_4 : vector<64x128xf32> to vector<64x128xbf16>
    %dot_general3A = arith.constant dense<0.000000e+00> : vector<32768x128xf32>
    %dot_general3A_6 = tpu.matmul %convert_element_type3A, %convert_element_type3A_5, %dot_general3A {dimension_numbers = #tpu.dot_dimension_numbers<[0], [0], [1], [1], [0, 1, 1, 1], [], []>, transpose_lhs_hint = false} : vector<64x32768xbf16>, vector<64x128xbf16>, vector<32768x128xf32> -> vector<32768x128xf32>
    %convert_element_type3A_7 = arith.truncf %dot_general3A_6 : vector<32768x128xf32> to vector<32768x128xbf16>
    %bitcast3A = tpu.bitcast %convert_element_type3A_7 : vector<32768x128xbf16> -> vector<16384x128xi32>
    %swap3A = arith.constant 0 : index
    %swap3A_8 = arith.constant 0 : index
    %swap3A_9 = vector.load %arg3[%swap3A, %swap3A_8] : memref<16384x128xi32, #tpu.memory_space<vmem>>, vector<16384x128xi32>
    tpu.vector_store %arg3[%swap3A, %swap3A_8], %bitcast3A {strides = array<i32>} : memref<16384x128xi32, #tpu.memory_space<vmem>>, vector<16384x128xi32>,
    return
  }
  func.func @transform_0(%arg0: i32) -> (i32, i32) {
    %c0_i32 = arith.constant 0 : i32
    %c0_i32_0 = arith.constant 0 : i32
    return %c0_i32, %arg0 : i32, i32
  }
  func.func @transform_1(%arg0: i32) -> (i32, i32) {
    %c0_i32 = arith.constant 0 : i32
    %c0_i32_0 = arith.constant 0 : i32
    %c0_i32_1 = arith.constant 0 : i32
    return %c0_i32, %c0_i32_0 : i32, i32
  }
  func.func @transform_2(%arg0: i32) -> (i32, i32) {
    %c0_i32 = arith.constant 0 : i32
    %c0_i32_0 = arith.constant 0 : i32
    return %arg0, %c0_i32 : i32, i32
  }
}

module attributes {stable_mosaic.version = 14 : i64} {
  func.func @_mlp_kernel(%arg0: i32, %arg1: memref<2048x128xi32, #tpu.memory_space<vmem>>, %arg2: memref<2048x128xi32, #tpu.memory_space<vmem>>, %arg3: memref<2048x1xf32, #tpu.memory_space<vmem>>, %arg4: memref<2048x1xf32, #tpu.memory_space<vmem>>, %arg5: memref<1x128xf32, #tpu.memory_space<vmem>>, %arg6: memref<128x64xf32, #tpu.memory_space<vmem>>, %arg7: memref<1x64xf32, #tpu.memory_space<vmem>>, %arg8: memref<64x32xf32, #tpu.memory_space<vmem>>, %arg9: memref<1x32xf32, #tpu.memory_space<vmem>>, %arg10: memref<1x32xf32, #tpu.memory_space<vmem>>, %arg11: memref<1x1xf32, #tpu.memory_space<vmem>>, %arg12: memref<2048x1xf32, #tpu.memory_space<vmem>>) attributes {dimension_semantics = [#tpu.dimension_semantics<arbitrary>], iteration_bounds = array<i64: 8>, scalar_prefetch = 0 : i64, scratch_operands = 0 : i64, tpu.core_type = #tpu.core_type<tc>, window_params = [{transform_indices = @transform_0, window_bounds = array<i64: 2048, 128>}, {transform_indices = @transform_1, window_bounds = array<i64: 2048, 128>}, {transform_indices = @transform_2, window_bounds = array<i64: 2048, 1>}, {transform_indices = @transform_3, window_bounds = array<i64: 2048, 1>}, {pipeline_mode = #tpu.pipeline_mode<synchronous>, transform_indices = @transform_4, window_bounds = array<i64: 1, 128>}, {pipeline_mode = #tpu.pipeline_mode<synchronous>, transform_indices = @transform_5, window_bounds = array<i64: 128, 64>}, {pipeline_mode = #tpu.pipeline_mode<synchronous>, transform_indices = @transform_6, window_bounds = array<i64: 1, 64>}, {pipeline_mode = #tpu.pipeline_mode<synchronous>, transform_indices = @transform_7, window_bounds = array<i64: 64, 32>}, {pipeline_mode = #tpu.pipeline_mode<synchronous>, transform_indices = @transform_8, window_bounds = array<i64: 1, 32>}, {pipeline_mode = #tpu.pipeline_mode<synchronous>, transform_indices = @transform_9, window_bounds = array<i64: 1, 32>}, {pipeline_mode = #tpu.pipeline_mode<synchronous>, transform_indices = @transform_10, window_bounds = array<i64: 1, 1>}, {transform_indices = @transform_11, window_bounds = array<i64: 2048, 1>}]} {
    %get3A = arith.constant 0 : index
    %get3A_0 = arith.constant 0 : index
    %get3A_1 = vector.load %arg1[%get3A, %get3A_0] : memref<2048x128xi32, #tpu.memory_space<vmem>>, vector<2048x128xi32>
    %bitcast_convert_type3A = tpu.bitcast %get3A_1 : vector<2048x128xi32> -> vector<2048x128xi32>
    %shift_left3A = arith.constant 16 : i32
    %shift_left3A_2 = vector.broadcast %shift_left3A : i32 to vector<2048x128xi32>
    %shift_left3A_3 = arith.shli %bitcast_convert_type3A, %shift_left3A_2 : vector<2048x128xi32>
    %bitcast_convert_type3A_4 = tpu.bitcast %shift_left3A_3 : vector<2048x128xi32> -> vector<2048x128xf32>
    %and3A = arith.constant -65536 : i32
    %and3A_5 = vector.broadcast %and3A : i32 to vector<2048x128xi32>
    %and3A_6 = arith.andi %bitcast_convert_type3A, %and3A_5 : vector<2048x128xi32>
    %bitcast_convert_type3A_7 = tpu.bitcast %and3A_6 : vector<2048x128xi32> -> vector<2048x128xf32>
    %get3A_8 = arith.constant 0 : index
    %get3A_9 = arith.constant 0 : index
    %get3A_10 = vector.load %arg3[%get3A_8, %get3A_9] : memref<2048x1xf32, #tpu.memory_space<vmem>>, vector<2048x1xf32>
    %gt3A = arith.constant 5.000000e-01 : f32
    %gt3A_11 = vector.broadcast %gt3A : f32 to vector<2048x1xf32>
    %gt3A_12 = arith.cmpf ogt, %get3A_10, %gt3A_11 : vector<2048x1xf32>
    %broadcast_in_dim3A = vector.shape_cast %gt3A_12 : vector<2048x1xi1> to vector<2048x1xi1>
    %broadcast_in_dim3A_13 = vector.broadcast %broadcast_in_dim3A : vector<2048x1xi1> to vector<2048x128xi1>
    %select_n3A = arith.select %broadcast_in_dim3A_13, %bitcast_convert_type3A_7, %bitcast_convert_type3A_4 : vector<2048x128xi1>, vector<2048x128xf32>
    %get3A_14 = arith.constant 0 : index
    %get3A_15 = arith.constant 0 : index
    %get3A_16 = vector.load %arg2[%get3A_14, %get3A_15] : memref<2048x128xi32, #tpu.memory_space<vmem>>, vector<2048x128xi32>
    %bitcast_convert_type3A_17 = tpu.bitcast %get3A_16 : vector<2048x128xi32> -> vector<2048x128xi32>
    %shift_left3A_18 = arith.constant 16 : i32
    %shift_left3A_19 = vector.broadcast %shift_left3A_18 : i32 to vector<2048x128xi32>
    %shift_left3A_20 = arith.shli %bitcast_convert_type3A_17, %shift_left3A_19 : vector<2048x128xi32>
    %bitcast_convert_type3A_21 = tpu.bitcast %shift_left3A_20 : vector<2048x128xi32> -> vector<2048x128xf32>
    %and3A_22 = arith.constant -65536 : i32
    %and3A_23 = vector.broadcast %and3A_22 : i32 to vector<2048x128xi32>
    %and3A_24 = arith.andi %bitcast_convert_type3A_17, %and3A_23 : vector<2048x128xi32>
    %bitcast_convert_type3A_25 = tpu.bitcast %and3A_24 : vector<2048x128xi32> -> vector<2048x128xf32>
    %get3A_26 = arith.constant 0 : index
    %get3A_27 = arith.constant 0 : index
    %get3A_28 = vector.load %arg4[%get3A_26, %get3A_27] : memref<2048x1xf32, #tpu.memory_space<vmem>>, vector<2048x1xf32>
    %gt3A_29 = arith.constant 5.000000e-01 : f32
    %gt3A_30 = vector.broadcast %gt3A_29 : f32 to vector<2048x1xf32>
    %gt3A_31 = arith.cmpf ogt, %get3A_28, %gt3A_30 : vector<2048x1xf32>
    %broadcast_in_dim3A_32 = vector.shape_cast %gt3A_31 : vector<2048x1xi1> to vector<2048x1xi1>
    %broadcast_in_dim3A_33 = vector.broadcast %broadcast_in_dim3A_32 : vector<2048x1xi1> to vector<2048x128xi1>
    %select_n3A_34 = arith.select %broadcast_in_dim3A_33, %bitcast_convert_type3A_25, %bitcast_convert_type3A_21 : vector<2048x128xi1>, vector<2048x128xf32>
    %add3A = arith.addf %select_n3A, %select_n3A_34 : vector<2048x128xf32>
    %get3A_35 = arith.constant 0 : index
    %get3A_36 = arith.constant 0 : index
    %get3A_37 = vector.load %arg5[%get3A_35, %get3A_36] : memref<1x128xf32, #tpu.memory_space<vmem>>, vector<1x128xf32>
    %add3A_38 = vector.broadcast %get3A_37 : vector<1x128xf32> to vector<2048x128xf32>
    %add3A_39 = arith.addf %add3A, %add3A_38 : vector<2048x128xf32>
    %max3A = arith.constant 0.000000e+00 : f32
    %max3A_40 = vector.broadcast %max3A : f32 to vector<2048x128xf32>
    %max3A_41 = arith.maximumf %add3A_39, %max3A_40 : vector<2048x128xf32>
    %get3A_42 = arith.constant 0 : index
    %get3A_43 = arith.constant 0 : index
    %get3A_44 = vector.load %arg6[%get3A_42, %get3A_43] : memref<128x64xf32, #tpu.memory_space<vmem>>, vector<128x64xf32>
    %dot_general3A = arith.constant dense<0.000000e+00> : vector<2048x64xf32>
    %dot_general3A_45 = tpu.matmul %max3A_41, %get3A_44, %dot_general3A {dimension_numbers = #tpu.dot_dimension_numbers<[1], [0], [0], [1], [0, 0, 1, 1], [], []>, transpose_lhs_hint = false} : vector<2048x128xf32>, vector<128x64xf32>, vector<2048x64xf32> -> vector<2048x64xf32>
    %get3A_46 = arith.constant 0 : index
    %get3A_47 = arith.constant 0 : index
    %get3A_48 = vector.load %arg7[%get3A_46, %get3A_47] : memref<1x64xf32, #tpu.memory_space<vmem>>, vector<1x64xf32>
    %add3A_49 = vector.broadcast %get3A_48 : vector<1x64xf32> to vector<2048x64xf32>
    %add3A_50 = arith.addf %dot_general3A_45, %add3A_49 : vector<2048x64xf32>
    %max3A_51 = arith.constant 0.000000e+00 : f32
    %max3A_52 = vector.broadcast %max3A_51 : f32 to vector<2048x64xf32>
    %max3A_53 = arith.maximumf %add3A_50, %max3A_52 : vector<2048x64xf32>
    %get3A_54 = arith.constant 0 : index
    %get3A_55 = arith.constant 0 : index
    %get3A_56 = vector.load %arg8[%get3A_54, %get3A_55] : memref<64x32xf32, #tpu.memory_space<vmem>>, vector<64x32xf32>
    %dot_general3A_57 = arith.constant dense<0.000000e+00> : vector<2048x32xf32>
    %dot_general3A_58 = tpu.matmul %max3A_53, %get3A_56, %dot_general3A_57 {dimension_numbers = #tpu.dot_dimension_numbers<[1], [0], [0], [1], [0, 0, 1, 1], [], []>, transpose_lhs_hint = false} : vector<2048x64xf32>, vector<64x32xf32>, vector<2048x32xf32> -> vector<2048x32xf32>
    %get3A_59 = arith.constant 0 : index
    %get3A_60 = arith.constant 0 : index
    %get3A_61 = vector.load %arg9[%get3A_59, %get3A_60] : memref<1x32xf32, #tpu.memory_space<vmem>>, vector<1x32xf32>
    %add3A_62 = vector.broadcast %get3A_61 : vector<1x32xf32> to vector<2048x32xf32>
    %add3A_63 = arith.addf %dot_general3A_58, %add3A_62 : vector<2048x32xf32>
    %max3A_64 = arith.constant 0.000000e+00 : f32
    %max3A_65 = vector.broadcast %max3A_64 : f32 to vector<2048x32xf32>
    %max3A_66 = arith.maximumf %add3A_63, %max3A_65 : vector<2048x32xf32>
    %get3A_67 = arith.constant 0 : index
    %get3A_68 = arith.constant 0 : index
    %get3A_69 = vector.load %arg10[%get3A_67, %get3A_68] : memref<1x32xf32, #tpu.memory_space<vmem>>, vector<1x32xf32>
    %mul3A = vector.broadcast %get3A_69 : vector<1x32xf32> to vector<2048x32xf32>
    %mul3A_70 = arith.mulf %max3A_66, %mul3A : vector<2048x32xf32>
    %reduce_sum3A = arith.constant dense<0.000000e+00> : vector<2048xf32>
    %reduce_sum3A_71 = vector.multi_reduction <add>, %mul3A_70, %reduce_sum3A [1] : vector<2048x32xf32> to vector<2048xf32>
    %broadcast_in_dim3A_72 = vector.shape_cast %reduce_sum3A_71 : vector<2048xf32> to vector<2048x1xf32>
    %get3A_73 = arith.constant 0 : index
    %get3A_74 = arith.constant 0 : index
    %get3A_75 = vector.load %arg11[%get3A_73, %get3A_74] : memref<1x1xf32, #tpu.memory_space<vmem>>, vector<1x1xf32>
    %add3A_76 = vector.broadcast %get3A_75 : vector<1x1xf32> to vector<2048x1xf32>
    %add3A_77 = arith.addf %broadcast_in_dim3A_72, %add3A_76 : vector<2048x1xf32>
    %logistic3A = arith.negf %add3A_77 : vector<2048x1xf32>
    %logistic3A_78 = math.exp %logistic3A : vector<2048x1xf32>
    %logistic3A_79 = arith.constant 1.000000e+00 : f32
    %logistic3A_80 = vector.broadcast %logistic3A_79 : f32 to vector<2048x1xf32>
    %logistic3A_81 = arith.addf %logistic3A_80, %logistic3A_78 : vector<2048x1xf32>
    %logistic3A_82 = arith.divf %logistic3A_80, %logistic3A_81 : vector<2048x1xf32>
    %swap3A = arith.constant 0 : index
    %swap3A_83 = arith.constant 0 : index
    %swap3A_84 = vector.load %arg12[%swap3A, %swap3A_83] : memref<2048x1xf32, #tpu.memory_space<vmem>>, vector<2048x1xf32>
    tpu.vector_store %arg12[%swap3A, %swap3A_83], %logistic3A_82 {strides = array<i32>} : memref<2048x1xf32, #tpu.memory_space<vmem>>, vector<2048x1xf32>,
    return
  }
  func.func @transform_0(%arg0: i32) -> (i32, i32) {
    %c0_i32 = arith.constant 0 : i32
    %c0_i32_0 = arith.constant 0 : i32
    return %arg0, %c0_i32 : i32, i32
  }
  func.func @transform_1(%arg0: i32) -> (i32, i32) {
    %c0_i32 = arith.constant 0 : i32
    %c0_i32_0 = arith.constant 0 : i32
    return %arg0, %c0_i32 : i32, i32
  }
  func.func @transform_2(%arg0: i32) -> (i32, i32) {
    %c0_i32 = arith.constant 0 : i32
    %c0_i32_0 = arith.constant 0 : i32
    return %arg0, %c0_i32 : i32, i32
  }
  func.func @transform_3(%arg0: i32) -> (i32, i32) {
    %c0_i32 = arith.constant 0 : i32
    %c0_i32_0 = arith.constant 0 : i32
    return %arg0, %c0_i32 : i32, i32
  }
  func.func @transform_4(%arg0: i32) -> (i32, i32) {
    %c0_i32 = arith.constant 0 : i32
    %c0_i32_0 = arith.constant 0 : i32
    %c0_i32_1 = arith.constant 0 : i32
    return %c0_i32, %c0_i32_0 : i32, i32
  }
  func.func @transform_5(%arg0: i32) -> (i32, i32) {
    %c0_i32 = arith.constant 0 : i32
    %c0_i32_0 = arith.constant 0 : i32
    %c0_i32_1 = arith.constant 0 : i32
    return %c0_i32, %c0_i32_0 : i32, i32
  }
  func.func @transform_6(%arg0: i32) -> (i32, i32) {
    %c0_i32 = arith.constant 0 : i32
    %c0_i32_0 = arith.constant 0 : i32
    %c0_i32_1 = arith.constant 0 : i32
    return %c0_i32, %c0_i32_0 : i32, i32
  }
  func.func @transform_7(%arg0: i32) -> (i32, i32) {
    %c0_i32 = arith.constant 0 : i32
    %c0_i32_0 = arith.constant 0 : i32
    %c0_i32_1 = arith.constant 0 : i32
    return %c0_i32, %c0_i32_0 : i32, i32
  }
  func.func @transform_8(%arg0: i32) -> (i32, i32) {
    %c0_i32 = arith.constant 0 : i32
    %c0_i32_0 = arith.constant 0 : i32
    %c0_i32_1 = arith.constant 0 : i32
    return %c0_i32, %c0_i32_0 : i32, i32
  }
  func.func @transform_9(%arg0: i32) -> (i32, i32) {
    %c0_i32 = arith.constant 0 : i32
    %c0_i32_0 = arith.constant 0 : i32
    %c0_i32_1 = arith.constant 0 : i32
    return %c0_i32, %c0_i32_0 : i32, i32
  }
  func.func @transform_10(%arg0: i32) -> (i32, i32) {
    %c0_i32 = arith.constant 0 : i32
    %c0_i32_0 = arith.constant 0 : i32
    %c0_i32_1 = arith.constant 0 : i32
    return %c0_i32, %c0_i32_0 : i32, i32
  }
  func.func @transform_11(%arg0: i32) -> (i32, i32) {
    %c0_i32 = arith.constant 0 : i32
    %c0_i32_0 = arith.constant 0 : i32
    return %arg0, %c0_i32 : i32, i32
  }
}

</mosaic_0001>

<sc_bundles>
// kernel: kernel.10.cloned.1.call-start
scs
__scs_entry_jumppad:
0x0: {  	(pc) =	sbr.rel $0x88, $3  }
0x1: {  	(tag) =	ssettag $0x0;
	lr =	simm.s32 $0x1  }
0x2: {  	[smem:$0x3F95] =	sst lr;
	_ =	strace $0xD0000000  }
0x3: {  	_ = 	snop  }
0x4: {  	_ = 	snop  }
0x5: {  	_ = 	snop  }
0x6: {  	_ = 	snop  }
0x7: {  	_ = 	snop  }
__scs_overlays_trampoline_lowered:
0x8: {  	[smem:$0x3FA4] =	sst s0  }
0x9: {  	[smem:$0x3FA5] =	sst s1  }
0xa: {  	[smem:$0x3FA6] =	sst s2  }
0xb: {  	[smem:$0x3FA7] =	sst s3  }
0xc: {  	[smem:$0x3FA8] =	sst s4  }
0xd: {  	[smem:$0x3FA9] =	sst s5  }
0xe: {  	[smem:$0x3FAA] =	sst s6  }
0xf: {  	[smem:$0x3FAB] =	sst s7  }
0x10: {  	[smem:$0x3FAC] =	sst s8  }
0x11: {  	[smem:$0x3FAD] =	sst s9;
	s0 =	simm.s32 @!p0 $0x0  }
0x12: {  	s1 =	sld [smem:$0x3F93];
	s0 =	simm.s32 @p0 $0x1  }
0x13: {  	[smem:$0x3FAE] =	sst s0;
	s0 =	simm.s32 @!p1 $0x0  }
0x14: {  	s2 =	sld [smem:$0x3F92];
	s0 =	simm.s32 @p1 $0x1  }
0x15: {  	[smem:$0x3FAF] =	sst s0;
	s0 =	simm.s32 @!p2 $0x0  }
0x16: {  	s3 =	sld [smem:$0x3FDB];
	s0 =	simm.s32 @p2 $0x1  }
0x17: {  	s4 =	simm.s32 $0x1BF5;
	[smem:$0x3FB1] =	sst s0  }
0x18: {  	s0 =	sld [smem:$0x3F94];
	_ =	swait.ge [sflag:s4], $0x0  }
0x19: {  	s7 =	sld [smem:$0x3F95]  }
0x1a: {  	s8 =	sadd.s32 $0xFFFFE003, lr  }
0x1b: {  	s9 =	sadd.s32 $0xFFFFFEF7, lr;
	s5 =	simm.s32 $0xFFFFFFFF;
	p2 =	slt.u32 s8, $0xFFFFF086  }
0x1c: {  	p1 =	slt.u32 s9, $0xF7A;
	s5 =	simm.s32 @!p2 $0x0  }
0x1d: {  	s5 =	simm.s32 @p1 $0x1;
	p0 =	seq.s32 s7, s2  }
0x1e: {  	s7 =	smul.u32 @!p0 $0xF7A, s2;
	p2 =	seq.s32 @!p0 s5, $0x0  }
0x1f: {  	s9 =	smul.u32 $0xF7A, s1;
	s8 =	simm.s32 @!p0 $0x1BF5;
	p2 =	por !p2, p0  }
0x20: {  	[sflag:s8] =	ssyncset.s32 @!p0 $0xFFFFF086;
	s6 =	sadd.s32 @!p0 s3, s7;
	s7 =	simm.s32 @!p0 $0x108  }
0x21: {  	s3 =	sadd.s32 s3, s9;
	s6 =	sadd.s32 @!p0 $0x88, s6;
	s7 =	simm.s32 @p2 $0x1082  }
0x22: {  	[simem:s7], [sflag:s8] =	dma.local @!p0 [hbm:s6], $0xF7A  }
0x23: {  	s9 =	sor.u32 $0xD0000000, s2;
	s6 =	simm.s32 $0x108;
	_ =	swait.ge @!p0 [sflag:s8], $0x0  }
0x24: {  	s3 =	sadd.s32 $0x88, s3;
	s6 =	simm.s32 @!p1 $0x1082;
	[sflag:s4] =	ssyncset.s32 $0xFFFFF086  }
0x25: {  	[simem:s6], [sflag:s4] =	dma.local [hbm:s3], $0xF7A  }
0x26: {  	[smem:$0x3F95] =	sst s1;
	(tag) =	ssettag s2;
	_ =	strace s9  }
0x27: {  	s1 =	sld [smem:$0x3FA5]  }
0x28: {  	s2 =	sld [smem:$0x3FA6]  }
0x29: {  	s4 =	sld [smem:$0x3FA8]  }
0x2a: {  	p0 =	seq.s32 s5, $0x0;
	s5 =	sld [smem:$0x3FA9]  }
0x2b: {  	s6 =	sld [smem:$0x3FAA]  }
0x2c: {  	s7 =	sld [smem:$0x3FAB]  }
0x2d: {  	s3 =	simm.s32 $0x108;
	s8 =	sld [smem:$0x3FAC]  }
0x2e: {  	s3 =	simm.s32 @!p0 $0x1082;
	s9 =	sld [smem:$0x3FAD]  }
0x2f: {  	lr =	sadd.s32 s0, s3;
	s0 =	sld [smem:$0x3FA4]  }
0x30: {  	s3 =	sld [smem:$0x3FA7]  }
0x31: {  	[smem:$0x3FB0] =	sst s10  }
0x32: {  	s10 =	sld [smem:$0x3FAE];
	_ =	sdelay $0x3  }
0x33: {  	p0 =	seq.s32 s10, $0x1;
	s10 =	sld [smem:$0x3FB0];
	_ =	sdelay $0x3  }
0x34: {  	[smem:$0x3FB0] =	sst s10  }
0x35: {  	s10 =	sld [smem:$0x3FAF];
	_ =	sdelay $0x3  }
0x36: {  	p1 =	seq.s32 s10, $0x1;
	s10 =	sld [smem:$0x3FB0];
	_ =	sdelay $0x3  }
0x37: {  	[smem:$0x3FB0] =	sst s10  }
0x38: {  	s10 =	sld [smem:$0x3FB1]  }
0x39: {  	_ = 	snop;
	(pc) =	sbr.ind lr, $3  }
0x3a: {  	_ = 	snop  }
0x3b: {  	_ = 	snop  }
0x3c: {  	p2 =	seq.s32 s10, $0x1;
	s10 =	sld [smem:$0x3FB0]  }
0x3d: {  	_ =	shalt  }
0x3e: {  	_ =	shalt  }
0x3f: {  	_ =	shalt  }
0x40: {  	_ =	shalt  }
0x41: {  	_ =	shalt  }
0x42: {  	_ =	shalt  }
0x43: {  	_ =	shalt  }
0x44: {  	_ =	shalt  }
0x45: {  	_ =	shalt  }
0x46: {  	_ =	shalt  }
0x47: {  	_ =	shalt  }
0x48: {  	_ =	shalt  }
0x49: {  	_ =	shalt  }
0x4a: {  	_ =	shalt  }
0x4b: {  	_ =	shalt  }
0x4c: {  	_ =	shalt  }
0x4d: {  	_ =	shalt  }
0x4e: {  	_ =	shalt  }
0x4f: {  	_ =	shalt  }
0x50: {  	_ =	shalt  }
0x51: {  	_ =	shalt  }
0x52: {  	_ =	shalt  }
0x53: {  	_ =	shalt  }
0x54: {  	_ =	shalt  }
0x55: {  	_ =	shalt  }
0x56: {  	_ =	shalt  }
0x57: {  	_ =	shalt  }
0x58: {  	_ =	shalt  }
0x59: {  	_ =	shalt  }
0x5a: {  	_ =	shalt  }
0x5b: {  	_ =	shalt  }
0x5c: {  	_ =	shalt  }
0x5d: {  	_ =	shalt  }
0x5e: {  	_ =	shalt  }
0x5f: {  	_ =	shalt  }
0x60: {  	_ =	shalt  }
0x61: {  	_ =	shalt  }
0x62: {  	_ =	shalt  }
0x63: {  	_ =	shalt  }
0x64: {  	_ =	shalt  }
0x65: {  	_ =	shalt  }
0x66: {  	_ =	shalt  }
0x67: {  	_ =	shalt  }
0x68: {  	_ =	shalt  }
0x69: {  	_ =	shalt  }
0x6a: {  	_ =	shalt  }
0x6b: {  	_ =	shalt  }
0x6c: {  	_ =	shalt  }
0x6d: {  	_ =	shalt  }
0x6e: {  	_ =	shalt  }
0x6f: {  	_ =	shalt  }
0x70: {  	_ =	shalt  }
0x71: {  	_ =	shalt  }
0x72: {  	_ =	shalt  }
0x73: {  	_ =	shalt  }
0x74: {  	_ =	shalt  }
0x75: {  	_ =	shalt  }
0x76: {  	_ =	shalt  }
0x77: {  	_ =	shalt  }
0x78: {  	_ =	shalt  }
0x79: {  	_ =	shalt  }
0x7a: {  	_ =	shalt  }
0x7b: {  	_ =	shalt  }
0x7c: {  	_ =	shalt  }
0x7d: {  	_ =	shalt  }
0x7e: {  	_ =	shalt  }
0x7f: {  	_ =	shalt  }
0x80: {  	_ =	shalt  }
0x81: {  	_ =	shalt  }
0x82: {  	_ =	shalt  }
0x83: {  	_ =	shalt  }
0x84: {  	_ =	shalt  }
0x85: {  	_ =	shalt  }
0x86: {  	_ =	shalt  }
0x87: {  	_ =	shalt  }
.Lfunc_end0:
.L_simem_size_0:
called_computation.1_lowered:
.L_overlay_start_0:
0x88: {  	s2 =	sld [smem:$0x3FD9]  }
0x89: {  	s3 =	sld [smem:$0x3FFE];
	_ =	sdelay $0x1  }
0x8a: {  	s1 =	srdreg.scid  }
0x8b: {  	s0 =	sand.u32 $0x1, s1  }
0x8c: {  	s16 =	sshll.u32 s0, $0xA;
	s2 =	sadd.s32 s3, s2  }
0x8d: {  	s2 =	sadd.s32 s2, s16  }
0x8e: {  	[smem:$0x3FBC] =	sst s2  }
0x8f: {  	_ = 	snop  }
0x90: {  	(tm) =	ssettm $0x1  }
0x91: {  	s17 =	sld [smem:$0x3FFB];
	_ =	sdelay $0x3  }
0x92: {  	_ =	strace s17  }
0x93: {  	s2 =	sld [smem:$0x3FFC];
	_ =	sdelay $0x3  }
0x94: {  	_ =	strace s2  }
0x95: {  	s2 =	sld [smem:$0x3FFD];
	_ =	sdelay $0x3  }
0x96: {  	_ =	strace s2  }
0x97: {  	_ =	strace $0x8FFFFFFF  }
0x98: {  	s18 =	sld [smem:$0x3FDB];
	_ =	sdelay $0x1  }
0x99: {  	s19 =	simm.s32 $_scs_section_size  }
0x9a: {  	s4 =	simm.s32 $_size__tile_overlayer_lowered;
	s5 =	simm.s32 $_tile_overlayer_lowered  }
0x9b: {  	s22 =	simm.s32 $0x1BFF;
	s21 =	sshll.u32 s5, $0x1;
	s2 =	sadd.s32 s19, s18  }
0x9c: {  	s6 =	simm.s32 $0x0;
	s20 =	sshll.u32 s4, $0x1;
	s4 =	sadd.s32 s21, s2  }
0x9d: {  	[timem:s6], [sflag:s22] =	dma.local [hbm:s4], s20  }
0x9e: {  	_ =	swait.ge [sflag:s22], s20  }
0x9f: {  	s3 =	ssub.s32 $0x0, s20;
	[sflag:s22] =	ssyncset.done $0x0  }
0xa0: {  	[sflag:s22] =	ssyncadd.s32 s3;
	_ =	sdelay $0x1  }
0xa1: {  	s23 =	simm.s32 $0x1B8B  }
0xa2: {  	_ =	swait.ge [sflag:s23], $0x1  }
0xa3: {  	[sflag:s23] =	ssyncset.done $0x0  }
0xa4: {  	s25 =	simm.s32 $0x1B8E;
	s24 =	sld [smem:$0x3FFE];
	[sflag:s23] =	ssyncadd.s32 $0xFFFFFFFF  }
0xa5: {  	s26 =	simm.s32 $execute0_lowered;
	[smem:$0x3FD2] =	sst s25  }
0xa6: {  	s4 =	sshll.u32 s26, $0x1;
	_ =	strace $0x80000046;
	[dreg:$0x1] =	wrdreg $0xFFFFFFFF  }
0xa7: {  	s28 =	simm.s32 $_size_execute0_lowered;
	s2 =	sadd.s32 s2, s4;
	[dreg:$0x0] =	wrdreg $0x0  }
0xa8: {  	s4 =	sshll.u32 s28, $0x1;
	[dreg:$0x2] =	wrdreg s2  }
0xa9: {  	[dreg:$0x3] =	wrdreg s4  }
0xaa: {  	[dreg:$0x4] =	wrdreg $0xC0  }
0xab: {  	_ =	task [dreg:s6], $0x5FFFF  }
0xac: {  	[dreg:$0x1] =	wrdreg $0xFFFFFFFF  }
0xad: {  	[dreg:$0x0] =	wrdreg $0x60  }
0xae: {  	[dreg:$0x2] =	wrdreg s24  }
0xaf: {  	[dreg:$0x3] =	wrdreg $0xA  }
0xb0: {  	_ =	task.clear_ibuf [dreg:s6], $0x4FFFF;
	_ =	strace $0x90000046  }
0xb1: {  	s29 =	simm.s32 $0xA;
	_ =	strace $0x80000048  }
0xb2: {  	_ =	swait.ge [sflag:s29], $0x1  }
0xb3: {  	[sflag:s29] =	ssyncadd.s32 $0xFFFFFFFF  }
0xb4: {  	_ =	strace $0x90000048  }
0xb5: {  	_ =	sfence  }
0xb6: {  	s30 =	sld [smem:$0x0];
	_ =	sdelay $0x2  }
0xb7: {  	s31 =	sshll.u32 s1, $0xD;
	s1 =	sshrl.u32 s1, $0x2  }
0xb8: {  	s3 =	sand.u32 $0x4000, s31;
	s1 =	sadd.s32 s1, s30  }
0xb9: {  	s0 =	sor.u32 s3, s0;
	s1 =	sshll.u32 s1, $0x11  }
0xba: {  	s0 =	sor.u32 s1, s0  }
0xbb: {  	s0 =	sadd.s32 $0x8F2B, s0  }
0xbc: {  	[sflag:s0] =	ssyncadd.remote.s32 $0x1  }
0xbd: {  	_ =	sfence.sel $0xFFFF  }
0xbe: {  	[dreg:$0x0] =	wrdreg $0xFFFFFFFF;
	(pc) =	sbr.abs _section_cstart, $3  }
0xbf: {  	[dreg:$0x1] =	wrdreg $0xFFFFFFFF  }
0xc0: {  	_ =	task.clear_ibuf [dreg:s6], $0x2FFFF;
	_ =	strace $0x9FFFFFFF  }
0xc1: {  	(tm) =	ssettm $0x7FFFFFFF  }
tec
execute0_lowered:
.L_overlay_start_1:
0x0: {  	(tag) =	ssettag $0x1  }
0x1: {  	s1 =	srdreg.scid  }
0x2: {  	s0 =	stileid.u32;
	s15 =	sand.u32 $0x1, s1  }
0x3: {  	s30 =	sshll.u32 s0, $0xA;
	s2 =	sshll.u32 s15, $0x9  }
0x4: {  	s10 =	rddreg [dreg:$0x0];
	s11 =	sor.u32 s2, s30  }
0x5: {  	s1 =	rddreg [dreg:$0x1];
	s2 =	simm.s32 $0x0;
	s3 =	sshrl.u32 s11, $0x3  }
0x6: {  	[smem:$0x7FF] =	sst s2;
	s3 =	sadd.s32 s3, s10  }
0x7: {  	_ =	strace $0x80000047;
	s4 =	sadd.s32 $0x2800, s3;
	s3 =	simm.s32 $0x2  }
0x8: {  	[tilespmem:s2], [sflag:$0x2] =	stream.linear.gather [hbm4b:s4+s2], $0x200, $0x38;
	[tilespmem:$0x8200] =	vst v63  }
0x9: {  	_ =	swait.ge [sflag:s3], $0x200  }
0xa: {  	s6 =	simm.s32 $0x80;
	[sflag:s3] =	ssyncset.done $0x0  }
0xb: {  	s7 =	simm.s32 $0x200;
	s5 =	sadd.s32 $0x3000, s10;
	[sflag:s3] =	ssyncadd.s32 $0xFFFFFE00  }
0xc: {  	[tilespmem:s7], [sflag:$0x1] =	stream.indirect.gather [hbm4b:s5+s6], $0x80, s2, s6, $0xb8;
	[tilespmem:$0x8200] =	vst v63  }
0xd: {  	s8 =	simm.s32 $0x4200;
	s9 =	simm.s32 $0x1  }
0xe: {  	[tilespmem:s8], [sflag:$0x1] =	stream.indirect.gather [hbm4b:s5+s6], $0x80, s6, s6, $0xb8;
	[tilespmem:$0x8200] =	vst v63  }
0xf: {  	s11 =	sshll.u32 s11, $0x4;
	_ =	swait.ge [sflag:s9], $0x4000  }
0x10: {  	s16 =	sadd.s32 s11, s10;
	[sflag:s9] =	ssyncset.done $0x0  }
0x11: {  	s10 =	sadd.s32 $0x7A4200, s16;
	[sflag:s9] =	ssyncadd.s32 $0xFFFFC000  }
0x12: {  	[hbm4b:s10+s2] =	stream.linear.scatter [tilespmem:s7], [sflag:$0x2], $0x4000, $0x38;
	[tilespmem:$0x8200] =	vst v63  }
0x13: {  	_ =	swait.ge [sflag:s3], $0x4000  }
0x14: {  	[sflag:s3] =	ssyncset.done $0x0  }
0x15: {  	[sflag:s3] =	ssyncadd.s32 $0xFFFFC000  }
0x16: {  	_ =	swait.ge [sflag:s9], $0x4000  }
0x17: {  	[sflag:s9] =	ssyncset.done $0x0  }
0x18: {  	s11 =	sadd.s32 $0x7A4A00, s16;
	[sflag:s9] =	ssyncadd.s32 $0xFFFFC000  }
0x19: {  	[hbm4b:s11+s2] =	stream.linear.scatter [tilespmem:s8], [sflag:$0x2], $0x4000, $0x38;
	[tilespmem:$0x8200] =	vst v63  }
0x1a: {  	_ =	swait.ge [sflag:s3], $0x4000  }
0x1b: {  	[sflag:s3] =	ssyncset.done $0x0  }
0x1c: {  	s12 =	simm.s32 $0x100;
	[sflag:s3] =	ssyncadd.s32 $0xFFFFC000  }
0x1d: {  	[tilespmem:s7], [sflag:$0x1] =	stream.indirect.gather [hbm4b:s5+s6], $0x80, s12, s6, $0xb8;
	[tilespmem:$0x8200] =	vst v63  }
0x1e: {  	s13 =	simm.s32 $0x180  }
0x1f: {  	[tilespmem:s8], [sflag:$0x1] =	stream.indirect.gather [hbm4b:s5+s6], $0x80, s13, s6, $0xb8;
	[tilespmem:$0x8200] =	vst v63  }
0x20: {  	_ =	swait.ge [sflag:s9], $0x4000  }
0x21: {  	[sflag:s9] =	ssyncset.done $0x0  }
0x22: {  	s15 =	ssub.s32 $0x2, s15;
	s14 =	sadd.s32 $0x7A5200, s16;
	[sflag:s9] =	ssyncadd.s32 $0xFFFFC000  }
0x23: {  	[hbm4b:s14+s2] =	stream.linear.scatter [tilespmem:s7], [sflag:$0x2], $0x4000, $0x38;
	[tilespmem:$0x8200] =	vst v63  }
0x24: {  	s17 =	sshrl.u32 s15, $0x1;
	_ =	swait.ge [sflag:s3], $0x4000  }
0x25: {  	s17 =	ssub.s32 s15, s17;
	[sflag:s3] =	ssyncset.done $0x0  }
0x26: {  	s31 =	smax.u32 s17, $0x1;
	[sflag:s3] =	ssyncadd.s32 $0xFFFFC000  }
0x27: {  	p0 =	sne.s32 s31, $0x1;
	_ =	swait.ge [sflag:s9], $0x4000  }
.Ltmp0:
0x28: {  	[sflag:s9] =	ssyncset.done $0x0;
	(pc) =	sbr.rel @!p0 .LBB2_2-.Ltmp0, $4  }
0x29: {  	s15 =	sadd.s32 $0x7A5A00, s16;
	[sflag:s9] =	ssyncadd.s32 $0xFFFFC000  }
0x2a: {  	[hbm4b:s15+s2] =	stream.linear.scatter [tilespmem:s8], [sflag:$0x2], $0x4000, $0x38;
	[tilespmem:$0x8200] =	vst v63  }
0x2b: {  	_ =	swait.ge [sflag:s3], $0x4000  }
0x2c: {  	s16 =	sadd.s32 $0xFFFFFFFF, s31;
	[sflag:s3] =	ssyncset.done $0x0  }
.LBB2_1:
0x2d: {  	p0 =	sne.s32 s16, $0x1;
	s16 =	sadd.s32 $0xFFFFFFFF, s16;
	[sflag:s3] =	ssyncadd.s32 $0xFFFFC000  }
0x2e: {  	[tilespmem:s2], [sflag:$0x2] =	stream.linear.gather [hbm4b:s4+s2], $0x200, $0x38;
	[tilespmem:$0x8200] =	vst v63  }
0x2f: {  	_ =	swait.ge [sflag:s3], $0x200  }
0x30: {  	[sflag:s3] =	ssyncset.done $0x0  }
0x31: {  	[sflag:s3] =	ssyncadd.s32 $0xFFFFFE00  }
0x32: {  	[tilespmem:s7], [sflag:$0x1] =	stream.indirect.gather [hbm4b:s5+s6], $0x80, s2, s6, $0xb8;
	[tilespmem:$0x8200] =	vst v63  }
0x33: {  	_ = 	snop  }
0x34: {  	[tilespmem:s8], [sflag:$0x1] =	stream.indirect.gather [hbm4b:s5+s6], $0x80, s6, s6, $0xb8;
	[tilespmem:$0x8200] =	vst v63  }
0x35: {  	_ =	swait.ge [sflag:s9], $0x4000  }
0x36: {  	[sflag:s9] =	ssyncset.done $0x0  }
0x37: {  	[sflag:s9] =	ssyncadd.s32 $0xFFFFC000  }
0x38: {  	[hbm4b:s10+s2] =	stream.linear.scatter [tilespmem:s7], [sflag:$0x2], $0x4000, $0x38;
	[tilespmem:$0x8200] =	vst v63  }
0x39: {  	_ =	swait.ge [sflag:s3], $0x4000  }
0x3a: {  	[sflag:s3] =	ssyncset.done $0x0  }
0x3b: {  	[sflag:s3] =	ssyncadd.s32 $0xFFFFC000  }
0x3c: {  	_ =	swait.ge [sflag:s9], $0x4000  }
0x3d: {  	[sflag:s9] =	ssyncset.done $0x0  }
0x3e: {  	[sflag:s9] =	ssyncadd.s32 $0xFFFFC000  }
0x3f: {  	[hbm4b:s11+s2] =	stream.linear.scatter [tilespmem:s8], [sflag:$0x2], $0x4000, $0x38;
	[tilespmem:$0x8200] =	vst v63  }
0x40: {  	_ =	swait.ge [sflag:s3], $0x4000  }
0x41: {  	[sflag:s3] =	ssyncset.done $0x0  }
0x42: {  	[sflag:s3] =	ssyncadd.s32 $0xFFFFC000  }
0x43: {  	[tilespmem:s7], [sflag:$0x1] =	stream.indirect.gather [hbm4b:s5+s6], $0x80, s12, s6, $0xb8;
	[tilespmem:$0x8200] =	vst v63  }
0x44: {  	_ = 	snop  }
0x45: {  	[tilespmem:s8], [sflag:$0x1] =	stream.indirect.gather [hbm4b:s5+s6], $0x80, s13, s6, $0xb8;
	[tilespmem:$0x8200] =	vst v63  }
0x46: {  	_ =	swait.ge [sflag:s9], $0x4000  }
0x47: {  	[sflag:s9] =	ssyncset.done $0x0  }
0x48: {  	[sflag:s9] =	ssyncadd.s32 $0xFFFFC000  }
0x49: {  	[hbm4b:s14+s2] =	stream.linear.scatter [tilespmem:s7], [sflag:$0x2], $0x4000, $0x38;
	[tilespmem:$0x8200] =	vst v63  }
0x4a: {  	_ =	swait.ge [sflag:s3], $0x4000  }
0x4b: {  	[sflag:s3] =	ssyncset.done $0x0  }
0x4c: {  	[sflag:s3] =	ssyncadd.s32 $0xFFFFC000  }
0x4d: {  	_ =	swait.ge [sflag:s9], $0x4000  }
.Ltmp1:
0x4e: {  	[sflag:s9] =	ssyncset.done $0x0;
	(pc) =	sbr.rel @p0 .LBB2_1-.Ltmp1, $4  }
0x4f: {  	[sflag:s9] =	ssyncadd.s32 $0xFFFFC000  }
0x50: {  	[hbm4b:s15+s2] =	stream.linear.scatter [tilespmem:s8], [sflag:$0x2], $0x4000, $0x38;
	[tilespmem:$0x8200] =	vst v63  }
0x51: {  	_ =	swait.ge [sflag:s3], $0x4000  }
0x52: {  	[sflag:s3] =	ssyncset.done $0x0  }
.LBB2_2:
0x53: {  	[sflag:s3] =	ssyncadd.s32 $0xFFFFC000  }
0x54: {  	_ =	sfence.sel $0x180000  }
0x55: {  	[bflag:$0x0] =	sbarrier.arrive $0xFFFF  }
0x56: {  	p0 =	sne.s32 s0, $0x0;
	_ =	strace $0x90000047  }
0x57: {  	s0 =	sadd.s32 @!p0 $0x100000, s1;
	[bflag:$0x2] =	sbarrier.arrive $0xFFFF  }
0x58: {  	[sflag:s0] =	ssyncadd.tile.s32 @!p0 $0x1;
	_ =	shalt  }
.Lfunc_end2:
_tile_overlayer_lowered:
.L_overlay_start_2:
0x59: {  	(tag) =	ssettag $0x2  }
0x5a: {  	s0 =	rddreg [dreg:$0x0];
	s2 =	stileid.u32  }
0x5b: {  	s1 =	rddreg [dreg:$0x1];
	p0 =	sne.s32 s2, $0x0  }
0x5c: {  	s3 =	rddreg [dreg:$0x2];
	[bflag:$0x3] =	sbarrier.arrive $0xFFFF;
	s2 =	simm.s32 @!p0 $0x1C02  }
0x5d: {  	[timem:s3], [sflag:s2] =	dma.local @!p0 [hbm:s0], s1  }
0x5e: {  	s0 =	simm.s32 @!p0 $0x2  }
0x5f: {  	_ =	swait.ge @!p0 [sflag:s0], s1  }
0x60: {  	s1 =	ssub.s32 @!p0 $0x0, s1;
	[sflag:s0] =	ssyncset.done @!p0 $0x0  }
0x61: {  	[sflag:s0] =	ssyncadd.s32 @!p0 s1  }
0x62: {  	[bflag:$0x3] =	sbarrier.arrive $0xFFFF  }
0x63: {  	_ =	shalt  }

// kernel: kernel.7.cloned.1.call-start
scs
__scs_entry_jumppad:
0x0: {  	(pc) =	sbr.rel $0x88, $3  }
0x1: {  	(tag) =	ssettag $0x0;
	lr =	simm.s32 $0x1  }
0x2: {  	[smem:$0x3F95] =	sst lr;
	_ =	strace $0xD0000000  }
0x3: {  	_ = 	snop  }
0x4: {  	_ = 	snop  }
0x5: {  	_ = 	snop  }
0x6: {  	_ = 	snop  }
0x7: {  	_ = 	snop  }
__scs_overlays_trampoline_lowered:
0x8: {  	[smem:$0x3FA4] =	sst s0  }
0x9: {  	[smem:$0x3FA5] =	sst s1  }
0xa: {  	[smem:$0x3FA6] =	sst s2  }
0xb: {  	[smem:$0x3FA7] =	sst s3  }
0xc: {  	[smem:$0x3FA8] =	sst s4  }
0xd: {  	[smem:$0x3FA9] =	sst s5  }
0xe: {  	[smem:$0x3FAA] =	sst s6  }
0xf: {  	[smem:$0x3FAB] =	sst s7  }
0x10: {  	[smem:$0x3FAC] =	sst s8  }
0x11: {  	[smem:$0x3FAD] =	sst s9;
	s0 =	simm.s32 @!p0 $0x0  }
0x12: {  	s1 =	sld [smem:$0x3F93];
	s0 =	simm.s32 @p0 $0x1  }
0x13: {  	[smem:$0x3FAE] =	sst s0;
	s0 =	simm.s32 @!p1 $0x0  }
0x14: {  	s2 =	sld [smem:$0x3F92];
	s0 =	simm.s32 @p1 $0x1  }
0x15: {  	[smem:$0x3FAF] =	sst s0;
	s0 =	simm.s32 @!p2 $0x0  }
0x16: {  	s3 =	sld [smem:$0x3FDB];
	s0 =	simm.s32 @p2 $0x1  }
0x17: {  	s4 =	simm.s32 $0x1BF5;
	[smem:$0x3FB1] =	sst s0  }
0x18: {  	s0 =	sld [smem:$0x3F94];
	_ =	swait.ge [sflag:s4], $0x0  }
0x19: {  	s7 =	sld [smem:$0x3F95]  }
0x1a: {  	s8 =	sadd.s32 $0xFFFFE003, lr  }
0x1b: {  	s9 =	sadd.s32 $0xFFFFFEF7, lr;
	s5 =	simm.s32 $0xFFFFFFFF;
	p2 =	slt.u32 s8, $0xFFFFF086  }
0x1c: {  	p1 =	slt.u32 s9, $0xF7A;
	s5 =	simm.s32 @!p2 $0x0  }
0x1d: {  	s5 =	simm.s32 @p1 $0x1;
	p0 =	seq.s32 s7, s2  }
0x1e: {  	s7 =	smul.u32 @!p0 $0xF7A, s2;
	p2 =	seq.s32 @!p0 s5, $0x0  }
0x1f: {  	s9 =	smul.u32 $0xF7A, s1;
	s8 =	simm.s32 @!p0 $0x1BF5;
	p2 =	por !p2, p0  }
0x20: {  	[sflag:s8] =	ssyncset.s32 @!p0 $0xFFFFF086;
	s6 =	sadd.s32 @!p0 s3, s7;
	s7 =	simm.s32 @!p0 $0x108  }
0x21: {  	s3 =	sadd.s32 s3, s9;
	s6 =	sadd.s32 @!p0 $0x88, s6;
	s7 =	simm.s32 @p2 $0x1082  }
0x22: {  	[simem:s7], [sflag:s8] =	dma.local @!p0 [hbm:s6], $0xF7A  }
0x23: {  	s9 =	sor.u32 $0xD0000000, s2;
	s6 =	simm.s32 $0x108;
	_ =	swait.ge @!p0 [sflag:s8], $0x0  }
0x24: {  	s3 =	sadd.s32 $0x88, s3;
	s6 =	simm.s32 @!p1 $0x1082;
	[sflag:s4] =	ssyncset.s32 $0xFFFFF086  }
0x25: {  	[simem:s6], [sflag:s4] =	dma.local [hbm:s3], $0xF7A  }
0x26: {  	[smem:$0x3F95] =	sst s1;
	(tag) =	ssettag s2;
	_ =	strace s9  }
0x27: {  	s1 =	sld [smem:$0x3FA5]  }
0x28: {  	s2 =	sld [smem:$0x3FA6]  }
0x29: {  	s4 =	sld [smem:$0x3FA8]  }
0x2a: {  	p0 =	seq.s32 s5, $0x0;
	s5 =	sld [smem:$0x3FA9]  }
0x2b: {  	s6 =	sld [smem:$0x3FAA]  }
0x2c: {  	s7 =	sld [smem:$0x3FAB]  }
0x2d: {  	s3 =	simm.s32 $0x108;
	s8 =	sld [smem:$0x3FAC]  }
0x2e: {  	s3 =	simm.s32 @!p0 $0x1082;
	s9 =	sld [smem:$0x3FAD]  }
0x2f: {  	lr =	sadd.s32 s0, s3;
	s0 =	sld [smem:$0x3FA4]  }
0x30: {  	s3 =	sld [smem:$0x3FA7]  }
0x31: {  	[smem:$0x3FB0] =	sst s10  }
0x32: {  	s10 =	sld [smem:$0x3FAE];
	_ =	sdelay $0x3  }
0x33: {  	p0 =	seq.s32 s10, $0x1;
	s10 =	sld [smem:$0x3FB0];
	_ =	sdelay $0x3  }
0x34: {  	[smem:$0x3FB0] =	sst s10  }
0x35: {  	s10 =	sld [smem:$0x3FAF];
	_ =	sdelay $0x3  }
0x36: {  	p1 =	seq.s32 s10, $0x1;
	s10 =	sld [smem:$0x3FB0];
	_ =	sdelay $0x3  }
0x37: {  	[smem:$0x3FB0] =	sst s10  }
0x38: {  	s10 =	sld [smem:$0x3FB1]  }
0x39: {  	_ = 	snop;
	(pc) =	sbr.ind lr, $3  }
0x3a: {  	_ = 	snop  }
0x3b: {  	_ = 	snop  }
0x3c: {  	p2 =	seq.s32 s10, $0x1;
	s10 =	sld [smem:$0x3FB0]  }
0x3d: {  	_ =	shalt  }
0x3e: {  	_ =	shalt  }
0x3f: {  	_ =	shalt  }
0x40: {  	_ =	shalt  }
0x41: {  	_ =	shalt  }
0x42: {  	_ =	shalt  }
0x43: {  	_ =	shalt  }
0x44: {  	_ =	shalt  }
0x45: {  	_ =	shalt  }
0x46: {  	_ =	shalt  }
0x47: {  	_ =	shalt  }
0x48: {  	_ =	shalt  }
0x49: {  	_ =	shalt  }
0x4a: {  	_ =	shalt  }
0x4b: {  	_ =	shalt  }
0x4c: {  	_ =	shalt  }
0x4d: {  	_ =	shalt  }
0x4e: {  	_ =	shalt  }
0x4f: {  	_ =	shalt  }
0x50: {  	_ =	shalt  }
0x51: {  	_ =	shalt  }
0x52: {  	_ =	shalt  }
0x53: {  	_ =	shalt  }
0x54: {  	_ =	shalt  }
0x55: {  	_ =	shalt  }
0x56: {  	_ =	shalt  }
0x57: {  	_ =	shalt  }
0x58: {  	_ =	shalt  }
0x59: {  	_ =	shalt  }
0x5a: {  	_ =	shalt  }
0x5b: {  	_ =	shalt  }
0x5c: {  	_ =	shalt  }
0x5d: {  	_ =	shalt  }
0x5e: {  	_ =	shalt  }
0x5f: {  	_ =	shalt  }
0x60: {  	_ =	shalt  }
0x61: {  	_ =	shalt  }
0x62: {  	_ =	shalt  }
0x63: {  	_ =	shalt  }
0x64: {  	_ =	shalt  }
0x65: {  	_ =	shalt  }
0x66: {  	_ =	shalt  }
0x67: {  	_ =	shalt  }
0x68: {  	_ =	shalt  }
0x69: {  	_ =	shalt  }
0x6a: {  	_ =	shalt  }
0x6b: {  	_ =	shalt  }
0x6c: {  	_ =	shalt  }
0x6d: {  	_ =	shalt  }
0x6e: {  	_ =	shalt  }
0x6f: {  	_ =	shalt  }
0x70: {  	_ =	shalt  }
0x71: {  	_ =	shalt  }
0x72: {  	_ =	shalt  }
0x73: {  	_ =	shalt  }
0x74: {  	_ =	shalt  }
0x75: {  	_ =	shalt  }
0x76: {  	_ =	shalt  }
0x77: {  	_ =	shalt  }
0x78: {  	_ =	shalt  }
0x79: {  	_ =	shalt  }
0x7a: {  	_ =	shalt  }
0x7b: {  	_ =	shalt  }
0x7c: {  	_ =	shalt  }
0x7d: {  	_ =	shalt  }
0x7e: {  	_ =	shalt  }
0x7f: {  	_ =	shalt  }
0x80: {  	_ =	shalt  }
0x81: {  	_ =	shalt  }
0x82: {  	_ =	shalt  }
0x83: {  	_ =	shalt  }
0x84: {  	_ =	shalt  }
0x85: {  	_ =	shalt  }
0x86: {  	_ =	shalt  }
0x87: {  	_ =	shalt  }
.Lfunc_end0:
.L_simem_size_0:
called_computation_lowered:
.L_overlay_start_0:
0x88: {  	s2 =	sld [smem:$0x3FD9]  }
0x89: {  	s3 =	sld [smem:$0x3FFE];
	_ =	sdelay $0x1  }
0x8a: {  	s1 =	srdreg.scid  }
0x8b: {  	s0 =	sand.u32 $0x1, s1  }
0x8c: {  	s17 =	sshll.u32 s0, $0xA;
	s2 =	sadd.s32 s3, s2  }
0x8d: {  	s2 =	sadd.s32 s2, s17  }
0x8e: {  	[smem:$0x3FBC] =	sst s2  }
0x8f: {  	_ = 	snop  }
0x90: {  	(tm) =	ssettm $0x1  }
0x91: {  	s18 =	sld [smem:$0x3FFB];
	_ =	sdelay $0x3  }
0x92: {  	_ =	strace s18  }
0x93: {  	s2 =	sld [smem:$0x3FFC];
	_ =	sdelay $0x3  }
0x94: {  	_ =	strace s2  }
0x95: {  	s2 =	sld [smem:$0x3FFD];
	_ =	sdelay $0x3  }
0x96: {  	_ =	strace s2  }
0x97: {  	_ =	strace $0x8FFFFFFF  }
0x98: {  	s19 =	sld [smem:$0x3FDB];
	_ =	sdelay $0x1  }
0x99: {  	s20 =	simm.s32 $_scs_section_size  }
0x9a: {  	s4 =	simm.s32 $_size__tile_overlayer_lowered;
	s5 =	simm.s32 $_tile_overlayer_lowered  }
0x9b: {  	s6 =	simm.s32 $0x1BFF;
	s21 =	sshll.u32 s5, $0x1;
	s3 =	sadd.s32 s20, s19  }
0x9c: {  	s22 =	simm.s32 $0x0;
	s4 =	sshll.u32 s4, $0x1;
	s5 =	sadd.s32 s21, s3  }
0x9d: {  	[timem:s22], [sflag:s6] =	dma.local [hbm:s5], s4  }
0x9e: {  	_ =	swait.ge [sflag:s6], s4  }
0x9f: {  	s4 =	ssub.s32 $0x0, s4;
	[sflag:s6] =	ssyncset.done $0x0  }
0xa0: {  	[sflag:s6] =	ssyncadd.s32 s4;
	_ =	sdelay $0x1  }
0xa1: {  	s23 =	simm.s32 $0x1B8B  }
0xa2: {  	_ =	swait.ge [sflag:s23], $0x1  }
0xa3: {  	[sflag:s23] =	ssyncset.done $0x0  }
0xa4: {  	[sflag:s23] =	ssyncadd.s32 $0xFFFFFFFF  }
0xa5: {  	s4 =	sld [smem:$0x0]  }
0xa6: {  	s5 =	sand.u32 $0xFFFFFFFE, s1  }
0xa7: {  	p0 =	sne.s32 s1, s5  }
0xa8: {  	s5 =	sshll.u32 @p0 s5, $0xE  }
0xa9: {  	s5 =	sadd.s32 @p0 $0x11B8D, s5;
	s6 =	sshll.u32 @p0 s4, $0x11  }
0xaa: {  	s5 =	sor.u32 @p0 s6, s5  }
0xab: {  	[sflag:s5] =	ssyncadd.remote.s32 @p0 $0x1;
	_ =	sdelay $0x1  }
0xac: {  	s5 =	simm.s32 @p0 $0x1B8D  }
0xad: {  	_ =	swait.eq @p0 [sflag:s5], $0x1  }
0xae: {  	[sflag:s5] =	ssyncadd.s32 @p0 $0xFFFFFFFF  }
0xaf: {  	s6 =	sshll.u32 @!p0 s1, $0xE  }
0xb0: {  	s6 =	sor.u32 @!p0 $0x4000, s6;
	s5 =	simm.s32 @!p0 $0x1B8D  }
0xb1: {  	s4 =	sshll.u32 @!p0 s4, $0x11;
	s6 =	sadd.s32 @!p0 $0x11B8D, s6;
	_ =	swait.eq @!p0 [sflag:s5], $0x1  }
0xb2: {  	s4 =	sor.u32 @!p0 s4, s6;
	[sflag:s5] =	ssyncadd.s32 @!p0 $0xFFFFFFFF  }
0xb3: {  	s25 =	simm.s32 $0x1B8E;
	s24 =	sld [smem:$0x3FFE];
	[sflag:s4] =	ssyncadd.remote.s32 @!p0 $0x1  }
0xb4: {  	s26 =	simm.s32 $execute0_lowered;
	[smem:$0x3FD2] =	sst s25  }
0xb5: {  	s5 =	sshll.u32 s26, $0x1;
	_ =	strace $0x80000049;
	[dreg:$0x1] =	wrdreg $0xFFFFFFFF  }
0xb6: {  	s28 =	simm.s32 $_size_execute0_lowered;
	s3 =	sadd.s32 s3, s5;
	[dreg:$0x0] =	wrdreg $0x0  }
0xb7: {  	s5 =	sshll.u32 s28, $0x1;
	[dreg:$0x2] =	wrdreg s3  }
0xb8: {  	[dreg:$0x3] =	wrdreg s5  }
0xb9: {  	[dreg:$0x4] =	wrdreg $0xC0  }
0xba: {  	_ =	task [dreg:s22], $0x5FFFF  }
0xbb: {  	[dreg:$0x1] =	wrdreg $0xFFFFFFFF  }
0xbc: {  	[dreg:$0x0] =	wrdreg $0x60  }
0xbd: {  	[dreg:$0x2] =	wrdreg s24  }
0xbe: {  	[dreg:$0x3] =	wrdreg $0x9  }
0xbf: {  	_ =	task.clear_ibuf [dreg:s22], $0x4FFFF;
	_ =	strace $0x90000049  }
0xc0: {  	s29 =	simm.s32 $0x9;
	_ =	strace $0x8000004B  }
0xc1: {  	_ =	swait.ge [sflag:s29], $0x1  }
0xc2: {  	[sflag:s29] =	ssyncadd.s32 $0xFFFFFFFF  }
0xc3: {  	_ =	strace $0x9000004B  }
0xc4: {  	_ =	sfence  }
0xc5: {  	s30 =	sld [smem:$0x0];
	_ =	sdelay $0x2  }
0xc6: {  	s31 =	sshll.u32 s1, $0xD;
	s1 =	sshrl.u32 s1, $0x2  }
0xc7: {  	s4 =	sand.u32 $0x4000, s31;
	s1 =	sadd.s32 s1, s30  }
0xc8: {  	s0 =	sor.u32 s4, s0;
	s1 =	sshll.u32 s1, $0x11  }
0xc9: {  	s0 =	sor.u32 s1, s0  }
0xca: {  	s0 =	sadd.s32 $0x8F2B, s0  }
0xcb: {  	[sflag:s0] =	ssyncadd.remote.s32 $0x1  }
0xcc: {  	_ =	sfence.sel $0xFFFF  }
0xcd: {  	[dreg:$0x0] =	wrdreg $0xFFFFFFFF;
	(pc) =	sbr.abs _section_cstart, $3  }
0xce: {  	[dreg:$0x1] =	wrdreg $0xFFFFFFFF  }
0xcf: {  	_ =	task.clear_ibuf [dreg:s22], $0x2FFFF;
	_ =	strace $0x9FFFFFFF  }
0xd0: {  	(tm) =	ssettm $0x7FFFFFFF  }
0xd1: {  	_ =	shalt  }
tec
execute0_lowered:
.L_overlay_start_1:
0x0: {  	(tag) =	ssettag $0x1  }
0x1: {  	s1 =	srdreg.scid  }
0x2: {  	s0 =	stileid.u32;
	s15 =	sand.u32 $0x1, s1  }
0x3: {  	s30 =	sshll.u32 s0, $0xA;
	s2 =	sshll.u32 s15, $0x9  }
0x4: {  	s10 =	rddreg [dreg:$0x0];
	s11 =	sor.u32 s2, s30  }
0x5: {  	s1 =	rddreg [dreg:$0x1];
	s2 =	simm.s32 $0x0;
	s3 =	sshrl.u32 s11, $0x3  }
0x6: {  	[smem:$0x7FF] =	sst s2;
	s3 =	sadd.s32 s3, s10  }
0x7: {  	_ =	strace $0x8000004A;
	s4 =	sadd.s32 $0xF85400, s3;
	s3 =	simm.s32 $0x2  }
0x8: {  	[tilespmem:s2], [sflag:$0x2] =	stream.linear.gather [hbm4b:s4+s2], $0x200, $0x38;
	[tilespmem:$0x8200] =	vst v63  }
0x9: {  	_ =	swait.ge [sflag:s3], $0x200  }
0xa: {  	s6 =	simm.s32 $0x80;
	[sflag:s3] =	ssyncset.done $0x0  }
0xb: {  	s7 =	simm.s32 $0x200;
	s5 =	sadd.s32 $0x7E4200, s10;
	[sflag:s3] =	ssyncadd.s32 $0xFFFFFE00  }
0xc: {  	[tilespmem:s7], [sflag:$0x1] =	stream.indirect.gather [hbm4b:s5+s6], $0x80, s2, s6, $0xb8;
	[tilespmem:$0x8200] =	vst v63  }
0xd: {  	s8 =	simm.s32 $0x4200;
	s9 =	simm.s32 $0x1  }
0xe: {  	[tilespmem:s8], [sflag:$0x1] =	stream.indirect.gather [hbm4b:s5+s6], $0x80, s6, s6, $0xb8;
	[tilespmem:$0x8200] =	vst v63  }
0xf: {  	s11 =	sshll.u32 s11, $0x4;
	_ =	swait.ge [sflag:s9], $0x4000  }
0x10: {  	s16 =	sadd.s32 s11, s10;
	[sflag:s9] =	ssyncset.done $0x0  }
0x11: {  	s10 =	sadd.s32 $0xF85C00, s16;
	[sflag:s9] =	ssyncadd.s32 $0xFFFFC000  }
0x12: {  	[hbm4b:s10+s2] =	stream.linear.scatter [tilespmem:s7], [sflag:$0x2], $0x4000, $0x38;
	[tilespmem:$0x8200] =	vst v63  }
0x13: {  	_ =	swait.ge [sflag:s3], $0x4000  }
0x14: {  	[sflag:s3] =	ssyncset.done $0x0  }
0x15: {  	[sflag:s3] =	ssyncadd.s32 $0xFFFFC000  }
0x16: {  	_ =	swait.ge [sflag:s9], $0x4000  }
0x17: {  	[sflag:s9] =	ssyncset.done $0x0  }
0x18: {  	s11 =	sadd.s32 $0xF86400, s16;
	[sflag:s9] =	ssyncadd.s32 $0xFFFFC000  }
0x19: {  	[hbm4b:s11+s2] =	stream.linear.scatter [tilespmem:s8], [sflag:$0x2], $0x4000, $0x38;
	[tilespmem:$0x8200] =	vst v63  }
0x1a: {  	_ =	swait.ge [sflag:s3], $0x4000  }
0x1b: {  	[sflag:s3] =	ssyncset.done $0x0  }
0x1c: {  	s12 =	simm.s32 $0x100;
	[sflag:s3] =	ssyncadd.s32 $0xFFFFC000  }
0x1d: {  	[tilespmem:s7], [sflag:$0x1] =	stream.indirect.gather [hbm4b:s5+s6], $0x80, s12, s6, $0xb8;
	[tilespmem:$0x8200] =	vst v63  }
0x1e: {  	s13 =	simm.s32 $0x180  }
0x1f: {  	[tilespmem:s8], [sflag:$0x1] =	stream.indirect.gather [hbm4b:s5+s6], $0x80, s13, s6, $0xb8;
	[tilespmem:$0x8200] =	vst v63  }
0x20: {  	_ =	swait.ge [sflag:s9], $0x4000  }
0x21: {  	[sflag:s9] =	ssyncset.done $0x0  }
0x22: {  	s15 =	ssub.s32 $0x2, s15;
	s14 =	sadd.s32 $0xF86C00, s16;
	[sflag:s9] =	ssyncadd.s32 $0xFFFFC000  }
0x23: {  	[hbm4b:s14+s2] =	stream.linear.scatter [tilespmem:s7], [sflag:$0x2], $0x4000, $0x38;
	[tilespmem:$0x8200] =	vst v63  }
0x24: {  	s17 =	sshrl.u32 s15, $0x1;
	_ =	swait.ge [sflag:s3], $0x4000  }
0x25: {  	s17 =	ssub.s32 s15, s17;
	[sflag:s3] =	ssyncset.done $0x0  }
0x26: {  	s31 =	smax.u32 s17, $0x1;
	[sflag:s3] =	ssyncadd.s32 $0xFFFFC000  }
0x27: {  	p0 =	sne.s32 s31, $0x1;
	_ =	swait.ge [sflag:s9], $0x4000  }
.Ltmp0:
0x28: {  	[sflag:s9] =	ssyncset.done $0x0;
	(pc) =	sbr.rel @!p0 .LBB2_2-.Ltmp0, $4  }
0x29: {  	s15 =	sadd.s32 $0xF87400, s16;
	[sflag:s9] =	ssyncadd.s32 $0xFFFFC000  }
0x2a: {  	[hbm4b:s15+s2] =	stream.linear.scatter [tilespmem:s8], [sflag:$0x2], $0x4000, $0x38;
	[tilespmem:$0x8200] =	vst v63  }
0x2b: {  	_ =	swait.ge [sflag:s3], $0x4000  }
0x2c: {  	s16 =	sadd.s32 $0xFFFFFFFF, s31;
	[sflag:s3] =	ssyncset.done $0x0  }
.LBB2_1:
0x2d: {  	p0 =	sne.s32 s16, $0x1;
	s16 =	sadd.s32 $0xFFFFFFFF, s16;
	[sflag:s3] =	ssyncadd.s32 $0xFFFFC000  }
0x2e: {  	[tilespmem:s2], [sflag:$0x2] =	stream.linear.gather [hbm4b:s4+s2], $0x200, $0x38;
	[tilespmem:$0x8200] =	vst v63  }
0x2f: {  	_ =	swait.ge [sflag:s3], $0x200  }
0x30: {  	[sflag:s3] =	ssyncset.done $0x0  }
0x31: {  	[sflag:s3] =	ssyncadd.s32 $0xFFFFFE00  }
0x32: {  	[tilespmem:s7], [sflag:$0x1] =	stream.indirect.gather [hbm4b:s5+s6], $0x80, s2, s6, $0xb8;
	[tilespmem:$0x8200] =	vst v63  }
0x33: {  	_ = 	snop  }
0x34: {  	[tilespmem:s8], [sflag:$0x1] =	stream.indirect.gather [hbm4b:s5+s6], $0x80, s6, s6, $0xb8;
	[tilespmem:$0x8200] =	vst v63  }
0x35: {  	_ =	swait.ge [sflag:s9], $0x4000  }
0x36: {  	[sflag:s9] =	ssyncset.done $0x0  }
0x37: {  	[sflag:s9] =	ssyncadd.s32 $0xFFFFC000  }
0x38: {  	[hbm4b:s10+s2] =	stream.linear.scatter [tilespmem:s7], [sflag:$0x2], $0x4000, $0x38;
	[tilespmem:$0x8200] =	vst v63  }
0x39: {  	_ =	swait.ge [sflag:s3], $0x4000  }
0x3a: {  	[sflag:s3] =	ssyncset.done $0x0  }
0x3b: {  	[sflag:s3] =	ssyncadd.s32 $0xFFFFC000  }
0x3c: {  	_ =	swait.ge [sflag:s9], $0x4000  }
0x3d: {  	[sflag:s9] =	ssyncset.done $0x0  }
0x3e: {  	[sflag:s9] =	ssyncadd.s32 $0xFFFFC000  }
0x3f: {  	[hbm4b:s11+s2] =	stream.linear.scatter [tilespmem:s8], [sflag:$0x2], $0x4000, $0x38;
	[tilespmem:$0x8200] =	vst v63  }
0x40: {  	_ =	swait.ge [sflag:s3], $0x4000  }
0x41: {  	[sflag:s3] =	ssyncset.done $0x0  }
0x42: {  	[sflag:s3] =	ssyncadd.s32 $0xFFFFC000  }
0x43: {  	[tilespmem:s7], [sflag:$0x1] =	stream.indirect.gather [hbm4b:s5+s6], $0x80, s12, s6, $0xb8;
	[tilespmem:$0x8200] =	vst v63  }
0x44: {  	_ = 	snop  }
0x45: {  	[tilespmem:s8], [sflag:$0x1] =	stream.indirect.gather [hbm4b:s5+s6], $0x80, s13, s6, $0xb8;
	[tilespmem:$0x8200] =	vst v63  }
0x46: {  	_ =	swait.ge [sflag:s9], $0x4000  }
0x47: {  	[sflag:s9] =	ssyncset.done $0x0  }
0x48: {  	[sflag:s9] =	ssyncadd.s32 $0xFFFFC000  }
0x49: {  	[hbm4b:s14+s2] =	stream.linear.scatter [tilespmem:s7], [sflag:$0x2], $0x4000, $0x38;
	[tilespmem:$0x8200] =	vst v63  }
0x4a: {  	_ =	swait.ge [sflag:s3], $0x4000  }
0x4b: {  	[sflag:s3] =	ssyncset.done $0x0  }
0x4c: {  	[sflag:s3] =	ssyncadd.s32 $0xFFFFC000  }
0x4d: {  	_ =	swait.ge [sflag:s9], $0x4000  }
.Ltmp1:
0x4e: {  	[sflag:s9] =	ssyncset.done $0x0;
	(pc) =	sbr.rel @p0 .LBB2_1-.Ltmp1, $4  }
0x4f: {  	[sflag:s9] =	ssyncadd.s32 $0xFFFFC000  }
0x50: {  	[hbm4b:s15+s2] =	stream.linear.scatter [tilespmem:s8], [sflag:$0x2], $0x4000, $0x38;
	[tilespmem:$0x8200] =	vst v63  }
0x51: {  	_ =	swait.ge [sflag:s3], $0x4000  }
0x52: {  	[sflag:s3] =	ssyncset.done $0x0  }
.LBB2_2:
0x53: {  	[sflag:s3] =	ssyncadd.s32 $0xFFFFC000  }
0x54: {  	_ =	sfence.sel $0x180000  }
0x55: {  	[bflag:$0x0] =	sbarrier.arrive $0xFFFF  }
0x56: {  	p0 =	sne.s32 s0, $0x0;
	_ =	strace $0x9000004A  }
0x57: {  	s0 =	sadd.s32 @!p0 $0x100000, s1;
	[bflag:$0x2] =	sbarrier.arrive $0xFFFF  }
0x58: {  	[sflag:s0] =	ssyncadd.tile.s32 @!p0 $0x1;
	_ =	shalt  }
.Lfunc_end2:
_tile_overlayer_lowered:
.L_overlay_start_2:
0x59: {  	(tag) =	ssettag $0x2  }
0x5a: {  	s0 =	rddreg [dreg:$0x0];
	s2 =	stileid.u32  }
0x5b: {  	s1 =	rddreg [dreg:$0x1];
	p0 =	sne.s32 s2, $0x0  }
0x5c: {  	s3 =	rddreg [dreg:$0x2];
	[bflag:$0x3] =	sbarrier.arrive $0xFFFF;
	s2 =	simm.s32 @!p0 $0x1C02  }
0x5d: {  	[timem:s3], [sflag:s2] =	dma.local @!p0 [hbm:s0], s1  }
0x5e: {  	s0 =	simm.s32 @!p0 $0x2  }
0x5f: {  	_ =	swait.ge @!p0 [sflag:s0], s1  }
0x60: {  	s1 =	ssub.s32 @!p0 $0x0, s1;
	[sflag:s0] =	ssyncset.done @!p0 $0x0  }
0x61: {  	[sflag:s0] =	ssyncadd.s32 @!p0 s1  }
0x62: {  	[bflag:$0x3] =	sbarrier.arrive $0xFFFF  }
0x63: {  	_ =	shalt  }

</sc_bundles>
